<compile_context>
chip_gen: v7x
topology: tpu7x:2x2x1
jax: 0.10.2.dev20260603
libtpu: 0.0.44.dev20260713+nightly
codegen_flags: <defaults>
</compile_context>

<pallas_src>
import functools

import jax
import jax.numpy as jnp
from jax import lax
from jax.experimental import pallas as pl
from jax.experimental.pallas import tpu as pltpu
from jax.experimental.pallas import tpu_sc as plsc

NUM_CODES = 100000
EMB_DIM = 128
NUM_VERTEX_TYPES = 8
BS = 1024
MAX_SIZE = 32
NUM_CLASSES = 1000

_NC, _NS = 2, 16
_NW = _NC * _NS
_CHUNK = 128


def _sc_gather_body(nchunk, rows_per_w, idx_hbm, table_hbm, out_hbm,
                    idx_v, buf, sem):
    wid = lax.axis_index("s") * _NC + lax.axis_index("c")
    base = wid * rows_per_w
    pltpu.sync_copy(idx_hbm.at[wid], idx_v)

    def step(i, carry):
        pltpu.async_copy(table_hbm.at[idx_v.at[i]], buf, sem).wait()
        pltpu.sync_copy(buf, out_hbm.at[pl.ds(base + i * _CHUNK, _CHUNK)])
        return carry

    lax.fori_loop(0, nchunk, step, 0)


@functools.cache
def _make_sc_gather(total_rows):
    rows_per_w = total_rows // _NW
    nchunk = rows_per_w // _CHUNK
    mesh = plsc.VectorSubcoreMesh(
        core_axis_name="c", subcore_axis_name="s",
        num_cores=_NC, num_subcores=_NS)
    return pl.kernel(
        functools.partial(_sc_gather_body, nchunk, rows_per_w),
        mesh=mesh,
        out_type=jax.ShapeDtypeStruct((total_rows, EMB_DIM), jnp.float32),
        scratch_types=[
            pltpu.VMEM((nchunk, _CHUNK), jnp.int32),
            pltpu.VMEM((_CHUNK, EMB_DIM), jnp.float32),
            pltpu.SemaphoreType.DMA,
        ],
        compiler_params=pltpu.CompilerParams(use_tc_tiling_on_sc=True),
    )


def _gather(idx_flat, ing_emb):
    total = idx_flat.shape[0]
    idx = idx_flat.reshape(_NW, total // (_NW * _CHUNK), _CHUNK)
    return _make_sc_gather(total)(idx, ing_emb)


_G = 8
_GN = _G * MAX_SIZE


def _gnn_body(nsub, h0_ref, vert_ref, edges_ref, bdmask_ref, sel_ref,
              tiled_eye_ref, vemb_ref, w1_ref, w2_ref, wout_ref, out_ref,
              h_scr, m_scr, abd_scr):
    f32, bf16 = jnp.float32, jnp.bfloat16
    vemb = vemb_ref[...]
    bdmask = bdmask_ref[...]
    tiled_eye = tiled_eye_ref[...]
    ones_col = jnp.ones((MAX_SIZE, NUM_VERTEX_TYPES), bf16)

    for s in range(nsub):
        rows = pl.ds(s * _GN, _GN)
        vert = vert_ref[pl.ds(s * _G, _G), :]
        oh3 = (vert[:, :, None]
               == lax.broadcasted_iota(jnp.int32, (_G, MAX_SIZE, NUM_VERTEX_TYPES), 2))
        oh = oh3.astype(bf16).reshape(_GN, NUM_VERTEX_TYPES)
        vadd = jnp.dot(oh, vemb, preferred_element_type=f32)
        h_scr[rows, :] = (h0_ref[rows, :] + vadd).astype(bf16)

        a2 = edges_ref[pl.ds(s * _G, _G), :, :].reshape(_GN, MAX_SIZE)
        a2_bf = a2.astype(bf16)
        deg = jnp.dot(a2_bf, ones_col,
                      preferred_element_type=f32)[:, :1]
        a2n = a2_bf * (1.0 / (deg + 1e-6)).astype(bf16)
        at = jnp.dot(a2n, tiled_eye, preferred_element_type=f32)
        abd_scr[rows, :] = at.astype(bf16) * bdmask

    for w_ref in (w1_ref, w2_ref):
        for s in range(nsub):
            rows = pl.ds(s * _GN, _GN)
            m = jnp.dot(abd_scr[rows, :], h_scr[rows, :],
                        preferred_element_type=f32)
            m_scr[rows, :] = m.astype(bf16)
        h_scr[...] = jnp.maximum(
            jnp.dot(m_scr[...], w_ref[...], preferred_element_type=f32),
            0.0).astype(bf16)

    pooled = jnp.dot(sel_ref[...], h_scr[...], preferred_element_type=f32)
    pooled = pooled * (1.0 / (MAX_SIZE + 1e-6))
    out_ref[...] = jnp.dot(pooled.astype(bf16), wout_ref[...],
                           preferred_element_type=f32)


def _encode(h0_flat, vert_col, edges, bdmask, sel, tiled_eye, vemb_b, w1_b,
            w2_b, wout_b, nsub):
    b = edges.shape[0]
    gp = _G * nsub
    rp = gp * MAX_SIZE
    rows_tot = b * MAX_SIZE
    grid = b // gp
    const = lambda i: (0, 0)
    bf16 = jnp.bfloat16
    return pl.pallas_call(
        functools.partial(_gnn_body, nsub),
        grid=(grid,),
        in_specs=[
            pl.BlockSpec((rp, EMB_DIM), lambda i: (i, 0)),
            pl.BlockSpec((gp, MAX_SIZE), lambda i: (i, 0)),
            pl.BlockSpec((gp, MAX_SIZE, MAX_SIZE), lambda i: (i, 0, 0)),
            pl.BlockSpec((_GN, _GN), const),
            pl.BlockSpec((gp, rp), const),
            pl.BlockSpec((MAX_SIZE, _GN), const),
            pl.BlockSpec((NUM_VERTEX_TYPES, EMB_DIM), const),
            pl.BlockSpec((EMB_DIM, EMB_DIM), const),
            pl.BlockSpec((EMB_DIM, EMB_DIM), const),
            pl.BlockSpec((EMB_DIM, EMB_DIM), const),
        ],
        out_specs=pl.BlockSpec((gp, EMB_DIM), lambda i: (i, 0)),
        out_shape=jax.ShapeDtypeStruct((b, EMB_DIM), jnp.float32),
        scratch_shapes=[
            pltpu.VMEM((rp, EMB_DIM), bf16),
            pltpu.VMEM((rp, EMB_DIM), bf16),
            pltpu.VMEM((rp, _GN), bf16),
        ],
    )(h0_flat, vert_col, edges, bdmask, sel, tiled_eye, vemb_b, w1_b, w2_b,
      wout_b)


def _sim_body(fc_ref, fi_ref, out_ref):
    f32 = jnp.float32
    fc = fc_ref[...]
    fi = fi_ref[...]
    dn = (((1,), (1,)), ((), ()))
    num = lax.dot_general(fc, fi, dn, preferred_element_type=f32)
    ncsq = jnp.sum(fc * fc, axis=1, keepdims=True)
    ones = jnp.ones((1, EMB_DIM), f32)
    nisq = lax.dot_general(ones, fi * fi, dn, preferred_element_type=f32)
    denom = jnp.maximum(jnp.sqrt(ncsq) * jnp.sqrt(nisq), 1e-8)
    out_ref[...] = (num / denom + 1.0) * 0.5


def _similarity(fi, fc):
    const = lambda: (0, 0)
    sim_t = pl.pallas_call(
        _sim_body,
        in_specs=[
            pl.BlockSpec((NUM_CLASSES, EMB_DIM), const),
            pl.BlockSpec((BS, EMB_DIM), const),
        ],
        out_specs=pl.BlockSpec((NUM_CLASSES, BS), const),
        out_shape=jax.ShapeDtypeStruct((NUM_CLASSES, BS), jnp.float32),
    )(fc, fi)
    return sim_t.T


def kernel(instance_ingredients, instance_vertices, instance_edges, feat_mask,
           class_ingredients, class_vertices, class_edges, ing_emb, vert_emb,
           W1, W2, Wout):
    f32, bf16, i32 = jnp.float32, jnp.bfloat16, jnp.int32

    h0_i = _gather(instance_ingredients.reshape(-1), ing_emb)
    idx_c = jnp.concatenate([
        class_ingredients.reshape(-1),
        jnp.zeros((768,), i32),
    ])
    h0_c = _gather(idx_c, ing_emb)


    rg = jnp.arange(_GN, dtype=i32) // MAX_SIZE
    bdmask = (rg[:, None] == rg[None, :]).astype(bf16)

    def selmat(nsub):
        gq = jnp.arange(nsub * _GN, dtype=i32) // MAX_SIZE
        return (jnp.arange(nsub * _G, dtype=i32)[:, None]
                == gq[None, :]).astype(bf16)

    tiled_eye = jnp.tile(jnp.eye(MAX_SIZE, dtype=f32), (1, _G)).astype(bf16)

    vemb_b = vert_emb.astype(bf16)
    w1_b, w2_b, wout_b = W1.astype(bf16), W2.astype(bf16), Wout.astype(bf16)

    fi = _encode(h0_i, instance_vertices, instance_edges, bdmask, selmat(8),
                 tiled_eye, vemb_b, w1_b, w2_b, wout_b, nsub=8)
    fc = _encode(h0_c, class_vertices, class_edges, bdmask, selmat(5),
                 tiled_eye, vemb_b, w1_b, w2_b, wout_b, nsub=5)
    return _similarity(fi, fc)

# --- scband reference (transcript-rebuilt; emitter-appended) ---
"""Pipeline reference for scband-matcher-34110630265313 (READ-ONLY COPY).

The authoritative reference and input builder live on the scoring server;
editing this copy changes nothing except your own understanding.
"""

import jax, jax.numpy as jnp
import numpy as np

NUM_CODES = 100000
EMB_DIM = 128
NUM_VERTEX_TYPES = 8
BS = 1024
MAX_SIZE = 32
NUM_CLASSES = 1000


def setup_inputs(seed: int = 0) -> dict:
    key = jax.random.key(seed)
    ks = jax.random.split(key, 12)
    inp = {}
    inp["instance_ingredients"] = jax.random.randint(ks[0], (BS, MAX_SIZE), 0, NUM_CODES, dtype=jnp.int32)
    inp["instance_vertices"] = jax.random.randint(ks[1], (BS, MAX_SIZE), 0, NUM_VERTEX_TYPES, dtype=jnp.int32)
    inp["instance_edges"] = jax.random.uniform(ks[2], (BS, MAX_SIZE, MAX_SIZE), dtype=jnp.float32)
    inp["feat_mask"] = jnp.zeros((BS, MAX_SIZE), dtype=bool)
    inp["class_ingredients"] = jax.random.randint(ks[3], (NUM_CLASSES, MAX_SIZE), 0, NUM_CODES, dtype=jnp.int32)
    inp["class_vertices"] = jax.random.randint(ks[4], (NUM_CLASSES, MAX_SIZE), 0, NUM_VERTEX_TYPES, dtype=jnp.int32)
    inp["class_edges"] = jax.random.uniform(ks[5], (NUM_CLASSES, MAX_SIZE, MAX_SIZE), dtype=jnp.float32)
    inp["ing_emb"] = jax.random.normal(ks[6], (NUM_CODES + 1, EMB_DIM), dtype=jnp.float32) * 0.02
    inp["vert_emb"] = jax.random.normal(ks[7], (NUM_VERTEX_TYPES, EMB_DIM), dtype=jnp.float32) * 0.02
    inp["W1"] = jax.random.normal(ks[8], (EMB_DIM, EMB_DIM), dtype=jnp.float32) * 0.05
    inp["W2"] = jax.random.normal(ks[9], (EMB_DIM, EMB_DIM), dtype=jnp.float32) * 0.05
    inp["Wout"] = jax.random.normal(ks[10], (EMB_DIM, EMB_DIM), dtype=jnp.float32) * 0.05
    return inp


def _gnn(nodes, edges, ingredients, feat_mask, ing_emb, vert_emb, W1, W2, Wout):
    # node features: ingredient-code embedding gather + vertex-type embedding gather
    valid = jnp.logical_not(feat_mask).astype(jnp.float32)
    h = jnp.take(ing_emb, ingredients, axis=0) + jnp.take(vert_emb, nodes, axis=0)
    h = h * valid[..., None]
    # row-normalized dense adjacency message passing, 2 layers
    deg = edges.sum(axis=-1, keepdims=True)
    A = edges / (deg + 1e-6)
    for W in (W1, W2):
        m = jnp.einsum('bij,bjd->bid', A, h)
        h = jax.nn.relu(jnp.einsum('bnd,de->bne', m, W))
        h = h * valid[..., None]
    # masked mean pool over nodes -> per-graph feature
    pooled = h.sum(axis=1) / (valid.sum(axis=1, keepdims=True) + 1e-6)
    return pooled @ Wout


def reference(instance_ingredients, instance_vertices, instance_edges, feat_mask, class_ingredients, class_vertices, class_edges, ing_emb, vert_emb, W1, W2, Wout):
    feat_instance = _gnn(instance_vertices, instance_edges, instance_ingredients, feat_mask, ing_emb, vert_emb, W1, W2, Wout)
    class_mask = jnp.zeros(class_ingredients.shape, dtype=bool)
    feat_kg = _gnn(class_vertices, class_edges, class_ingredients, class_mask, ing_emb, vert_emb, W1, W2, Wout)
    # cosine similarity, rescaled to [0, 1] as in Matcher._cosine_sim
    num = jnp.einsum('bd,cd->bc', feat_instance, feat_kg)
    na = jnp.linalg.norm(feat_instance, axis=-1)[:, None]
    nb = jnp.linalg.norm(feat_kg, axis=-1)[None, :]
    sim = num / jnp.maximum(na * nb, 1e-8)
    return (sim + 1.0) / 2.0

if __name__ == "__main__":
    import jax
    _d = setup_inputs()
    print(jax.jit(kernel)(*tuple(_d.values())))

</pallas_src>

<mosaic_0001>
#map = affine_map<(d0, d1) -> (0, 0, 0)>
#map1 = affine_map<(d0, d1) -> (0, 0)>
module attributes {stable_mosaic.version = 14 : i64} {
  func.func @_sc_gather_body(%arg0: i32, %arg1: i32, %arg2: memref<32x8x128xi32, #tpu.memory_space<hbm>>, %arg3: memref<100001x128xf32, #tpu.memory_space<hbm>>, %arg4: memref<32768x128xf32, #tpu.memory_space<hbm>>, %arg5: memref<8x128xi32, #tpu.memory_space<vmem>>, %arg6: memref<128x128xf32, #tpu.memory_space<vmem>>, %arg7: memref<!tpu.dma_semaphore, #tpu.memory_space<semaphore_mem>>) attributes {dimension_semantics = [#tpu.dimension_semantics<core_parallel>, #tpu.dimension_semantics<subcore_parallel>], iteration_bounds = array<i64: 2, 16>, scalar_prefetch = 0 : i64, scratch_operands = 3 : i64, tpu.core_type = #tpu.core_type<sc_vector_subcore>, window_params = [{transform_indices = #map}, {transform_indices = #map1}, {transform_indices = #map1}]} {
    %mul3A = arith.constant 2 : i32
    %mul3A_0 = arith.muli %arg1, %mul3A : i32
    %add3A = arith.addi %mul3A_0, %arg0 : i32
    %mul3A_1 = arith.constant 1024 : i32
    %mul3A_2 = arith.muli %add3A, %mul3A_1 : i32
    "tpu.region"() ({
      %run_scoped3A = tpu.sem_alloc : memref<!tpu.dma_semaphore, #tpu.memory_space<semaphore_mem>>
      %dma_start3A = arith.constant 0 : i32
      %dma_start3A_8 = arith.constant 0 : i32
      %dma_start3A_9 = tpu.memref_slice %arg2[%add3A, %dma_start3A, %dma_start3A_8] : memref<32x8x128xi32, #tpu.memory_space<hbm>> -> memref<1x8x128xi32, #tpu.memory_space<hbm>>
      %dma_start3A_10 = tpu.memref_squeeze %dma_start3A_9 : memref<1x8x128xi32, #tpu.memory_space<hbm>> -> memref<8x128xi32, #tpu.memory_space<hbm>>
      %dma_start3A_11 = arith.constant 0 : i32
      %dma_start3A_12 = arith.constant 0 : i32
      %dma_start3A_13 = tpu.memref_slice %arg2[%add3A, %dma_start3A_11, %dma_start3A_12] : memref<32x8x128xi32, #tpu.memory_space<hbm>> -> memref<1x8x128xi32, #tpu.memory_space<hbm>>
      %dma_start3A_14 = tpu.memref_squeeze %dma_start3A_13 : memref<1x8x128xi32, #tpu.memory_space<hbm>> -> memref<8x128xi32, #tpu.memory_space<hbm>>
      tpu.enqueue_dma source(%dma_start3A_14 : memref<8x128xi32, #tpu.memory_space<hbm>>) target(%arg5 : memref<8x128xi32, #tpu.memory_space<vmem>>) target_semaphore(%run_scoped3A : memref<!tpu.dma_semaphore, #tpu.memory_space<semaphore_mem>>)
      %dma_wait3A = arith.constant 0 : i32
      %dma_wait3A_15 = arith.constant 0 : i32
      %dma_wait3A_16 = tpu.memref_slice %arg2[%add3A, %dma_wait3A, %dma_wait3A_15] : memref<32x8x128xi32, #tpu.memory_space<hbm>> -> memref<1x8x128xi32, #tpu.memory_space<hbm>>
      %dma_wait3A_17 = tpu.memref_squeeze %dma_wait3A_16 : memref<1x8x128xi32, #tpu.memory_space<hbm>> -> memref<8x128xi32, #tpu.memory_space<hbm>>
      %dma_wait3A_18 = arith.constant 0 : i32
      %dma_wait3A_19 = arith.constant 0 : i32
      %dma_wait3A_20 = tpu.memref_slice %arg2[%add3A, %dma_wait3A_18, %dma_wait3A_19] : memref<32x8x128xi32, #tpu.memory_space<hbm>> -> memref<1x8x128xi32, #tpu.memory_space<hbm>>
      %dma_wait3A_21 = tpu.memref_squeeze %dma_wait3A_20 : memref<1x8x128xi32, #tpu.memory_space<hbm>> -> memref<8x128xi32, #tpu.memory_space<hbm>>
      tpu.wait_dma2 semaphore(%run_scoped3A : memref<!tpu.dma_semaphore, #tpu.memory_space<semaphore_mem>>) src(%dma_wait3A_21 : memref<8x128xi32, #tpu.memory_space<hbm>>) dst(%arg5 : memref<8x128xi32, #tpu.memory_space<vmem>>)
      tpu.yield
    }) : () -> ()
    %scan3A = arith.constant 0 : i32
    %scan3A_3 = arith.constant 0 : i32
    %scan3A_4 = arith.constant 8 : i32
    %scan3A_5 = arith.addi %scan3A_3, %scan3A_4 : i32
    %scan3A_6 = arith.constant 1 : i32
    scf.for %scan3A_8 = %scan3A_3 to %scan3A_5 step %scan3A_6  : i32 {
      %dma_start3A = arith.constant 0 : i32
      %dma_start3A_9 = tpu.memref_slice %arg5[%scan3A_8, %dma_start3A] : memref<8x128xi32, #tpu.memory_space<vmem>> -> memref<1x128xi32, #tpu.memory_space<vmem>>
      %dma_start3A_10 = tpu.memref_squeeze %dma_start3A_9 : memref<1x128xi32, #tpu.memory_space<vmem>> -> memref<128xi32, #tpu.memory_space<vmem>>
      %dma_start3A_11 = arith.constant 0 : i32
      %dma_start3A_12 = arith.constant 0 : i32
      %dma_start3A_13 = tpu.memref_slice %arg3[%dma_start3A_11, %dma_start3A_12] : memref<100001x128xf32, #tpu.memory_space<hbm>> -> memref<100001x128xf32, #tpu.memory_space<hbm>>
      tpu.enqueue_indirect_dma source(%dma_start3A_13 : memref<100001x128xf32, #tpu.memory_space<hbm>>) target(%arg6 : memref<128x128xf32, #tpu.memory_space<vmem>>) offsets(%dma_start3A_10 : memref<128xi32, #tpu.memory_space<vmem>>) semaphore(%arg7 : memref<!tpu.dma_semaphore, #tpu.memory_space<semaphore_mem>>)
      %dma_wait3A = arith.constant 0 : i32
      %dma_wait3A_14 = tpu.memref_slice %arg5[%scan3A_8, %dma_wait3A] : memref<8x128xi32, #tpu.memory_space<vmem>> -> memref<1x128xi32, #tpu.memory_space<vmem>>
      %dma_wait3A_15 = tpu.memref_squeeze %dma_wait3A_14 : memref<1x128xi32, #tpu.memory_space<vmem>> -> memref<128xi32, #tpu.memory_space<vmem>>
      %dma_wait3A_16 = arith.constant 0 : i32
      %dma_wait3A_17 = arith.constant 0 : i32
      %dma_wait3A_18 = tpu.memref_slice %arg3[%dma_wait3A_16, %dma_wait3A_17] : memref<100001x128xf32, #tpu.memory_space<hbm>> -> memref<100001x128xf32, #tpu.memory_space<hbm>>
      tpu.wait_indirect_dma semaphore(%arg7 : memref<!tpu.dma_semaphore, #tpu.memory_space<semaphore_mem>>) src(%dma_wait3A_18 : memref<100001x128xf32, #tpu.memory_space<hbm>>) dst(%arg6 : memref<128x128xf32, #tpu.memory_space<vmem>>)
      %mul3A_19 = arith.constant 128 : i32
      %mul3A_20 = arith.muli %scan3A_8, %mul3A_19 : i32
      %add3A_21 = arith.addi %mul3A_2, %mul3A_20 : i32
      "tpu.region"() ({
        %run_scoped3A = tpu.sem_alloc : memref<!tpu.dma_semaphore, #tpu.memory_space<semaphore_mem>>
        %dma_start3A_22 = arith.constant 0 : i32
        %dma_start3A_23 = tpu.memref_slice %arg4[%add3A_21, %dma_start3A_22] : memref<32768x128xf32, #tpu.memory_space<hbm>> -> memref<128x128xf32, #tpu.memory_space<hbm>>
        %dma_start3A_24 = arith.constant 0 : i32
        %dma_start3A_25 = tpu.memref_slice %arg4[%add3A_21, %dma_start3A_24] : memref<32768x128xf32, #tpu.memory_space<hbm>> -> memref<128x128xf32, #tpu.memory_space<hbm>>
        tpu.enqueue_dma source(%arg6 : memref<128x128xf32, #tpu.memory_space<vmem>>) target(%dma_start3A_25 : memref<128x128xf32, #tpu.memory_space<hbm>>) target_semaphore(%run_scoped3A : memref<!tpu.dma_semaphore, #tpu.memory_space<semaphore_mem>>)
        %dma_wait3A_26 = arith.constant 0 : i32
        %dma_wait3A_27 = tpu.memref_slice %arg4[%add3A_21, %dma_wait3A_26] : memref<32768x128xf32, #tpu.memory_space<hbm>> -> memref<128x128xf32, #tpu.memory_space<hbm>>
        %dma_wait3A_28 = arith.constant 0 : i32
        %dma_wait3A_29 = tpu.memref_slice %arg4[%add3A_21, %dma_wait3A_28] : memref<32768x128xf32, #tpu.memory_space<hbm>> -> memref<128x128xf32, #tpu.memory_space<hbm>>
        tpu.wait_dma2 semaphore(%run_scoped3A : memref<!tpu.dma_semaphore, #tpu.memory_space<semaphore_mem>>) src(%arg6 : memref<128x128xf32, #tpu.memory_space<vmem>>) dst(%dma_wait3A_29 : memref<128x128xf32, #tpu.memory_space<hbm>>)
        tpu.yield
      }) : () -> ()
    }
    %scan3A_7 = arith.constant 8 : i32
    return
  }
}

#map = affine_map<(d0, d1) -> (0, 0, 0)>
#map1 = affine_map<(d0, d1) -> (0, 0)>
module attributes {stable_mosaic.version = 14 : i64} {
  func.func @_sc_gather_body(%arg0: i32, %arg1: i32, %arg2: memref<32x8x128xi32, #tpu.memory_space<hbm>>, %arg3: memref<100001x128xf32, #tpu.memory_space<hbm>>, %arg4: memref<32768x128xf32, #tpu.memory_space<hbm>>, %arg5: memref<8x128xi32, #tpu.memory_space<vmem>>, %arg6: memref<128x128xf32, #tpu.memory_space<vmem>>, %arg7: memref<!tpu.dma_semaphore, #tpu.memory_space<semaphore_mem>>) attributes {dimension_semantics = [#tpu.dimension_semantics<core_parallel>, #tpu.dimension_semantics<subcore_parallel>], iteration_bounds = array<i64: 2, 16>, scalar_prefetch = 0 : i64, scratch_operands = 3 : i64, tpu.core_type = #tpu.core_type<sc_vector_subcore>, window_params = [{transform_indices = #map}, {transform_indices = #map1}, {transform_indices = #map1}]} {
    %mul3A = arith.constant 2 : i32
    %mul3A_0 = arith.muli %arg1, %mul3A : i32
    %add3A = arith.addi %mul3A_0, %arg0 : i32
    %mul3A_1 = arith.constant 1024 : i32
    %mul3A_2 = arith.muli %add3A, %mul3A_1 : i32
    "tpu.region"() ({
      %run_scoped3A = tpu.sem_alloc : memref<!tpu.dma_semaphore, #tpu.memory_space<semaphore_mem>>
      %dma_start3A = arith.constant 0 : i32
      %dma_start3A_8 = arith.constant 0 : i32
      %dma_start3A_9 = tpu.memref_slice %arg2[%add3A, %dma_start3A, %dma_start3A_8] : memref<32x8x128xi32, #tpu.memory_space<hbm>> -> memref<1x8x128xi32, #tpu.memory_space<hbm>>
      %dma_start3A_10 = tpu.memref_squeeze %dma_start3A_9 : memref<1x8x128xi32, #tpu.memory_space<hbm>> -> memref<8x128xi32, #tpu.memory_space<hbm>>
      %dma_start3A_11 = arith.constant 0 : i32
      %dma_start3A_12 = arith.constant 0 : i32
      %dma_start3A_13 = tpu.memref_slice %arg2[%add3A, %dma_start3A_11, %dma_start3A_12] : memref<32x8x128xi32, #tpu.memory_space<hbm>> -> memref<1x8x128xi32, #tpu.memory_space<hbm>>
      %dma_start3A_14 = tpu.memref_squeeze %dma_start3A_13 : memref<1x8x128xi32, #tpu.memory_space<hbm>> -> memref<8x128xi32, #tpu.memory_space<hbm>>
      tpu.enqueue_dma source(%dma_start3A_14 : memref<8x128xi32, #tpu.memory_space<hbm>>) target(%arg5 : memref<8x128xi32, #tpu.memory_space<vmem>>) target_semaphore(%run_scoped3A : memref<!tpu.dma_semaphore, #tpu.memory_space<semaphore_mem>>)
      %dma_wait3A = arith.constant 0 : i32
      %dma_wait3A_15 = arith.constant 0 : i32
      %dma_wait3A_16 = tpu.memref_slice %arg2[%add3A, %dma_wait3A, %dma_wait3A_15] : memref<32x8x128xi32, #tpu.memory_space<hbm>> -> memref<1x8x128xi32, #tpu.memory_space<hbm>>
      %dma_wait3A_17 = tpu.memref_squeeze %dma_wait3A_16 : memref<1x8x128xi32, #tpu.memory_space<hbm>> -> memref<8x128xi32, #tpu.memory_space<hbm>>
      %dma_wait3A_18 = arith.constant 0 : i32
      %dma_wait3A_19 = arith.constant 0 : i32
      %dma_wait3A_20 = tpu.memref_slice %arg2[%add3A, %dma_wait3A_18, %dma_wait3A_19] : memref<32x8x128xi32, #tpu.memory_space<hbm>> -> memref<1x8x128xi32, #tpu.memory_space<hbm>>
      %dma_wait3A_21 = tpu.memref_squeeze %dma_wait3A_20 : memref<1x8x128xi32, #tpu.memory_space<hbm>> -> memref<8x128xi32, #tpu.memory_space<hbm>>
      tpu.wait_dma2 semaphore(%run_scoped3A : memref<!tpu.dma_semaphore, #tpu.memory_space<semaphore_mem>>) src(%dma_wait3A_21 : memref<8x128xi32, #tpu.memory_space<hbm>>) dst(%arg5 : memref<8x128xi32, #tpu.memory_space<vmem>>)
      tpu.yield
    }) : () -> ()
    %scan3A = arith.constant 0 : i32
    %scan3A_3 = arith.constant 0 : i32
    %scan3A_4 = arith.constant 8 : i32
    %scan3A_5 = arith.addi %scan3A_3, %scan3A_4 : i32
    %scan3A_6 = arith.constant 1 : i32
    scf.for %scan3A_8 = %scan3A_3 to %scan3A_5 step %scan3A_6  : i32 {
      %dma_start3A = arith.constant 0 : i32
      %dma_start3A_9 = tpu.memref_slice %arg5[%scan3A_8, %dma_start3A] : memref<8x128xi32, #tpu.memory_space<vmem>> -> memref<1x128xi32, #tpu.memory_space<vmem>>
      %dma_start3A_10 = tpu.memref_squeeze %dma_start3A_9 : memref<1x128xi32, #tpu.memory_space<vmem>> -> memref<128xi32, #tpu.memory_space<vmem>>
      %dma_start3A_11 = arith.constant 0 : i32
      %dma_start3A_12 = arith.constant 0 : i32
      %dma_start3A_13 = tpu.memref_slice %arg3[%dma_start3A_11, %dma_start3A_12] : memref<100001x128xf32, #tpu.memory_space<hbm>> -> memref<100001x128xf32, #tpu.memory_space<hbm>>
      tpu.enqueue_indirect_dma source(%dma_start3A_13 : memref<100001x128xf32, #tpu.memory_space<hbm>>) target(%arg6 : memref<128x128xf32, #tpu.memory_space<vmem>>) offsets(%dma_start3A_10 : memref<128xi32, #tpu.memory_space<vmem>>) semaphore(%arg7 : memref<!tpu.dma_semaphore, #tpu.memory_space<semaphore_mem>>)
      %dma_wait3A = arith.constant 0 : i32
      %dma_wait3A_14 = tpu.memref_slice %arg5[%scan3A_8, %dma_wait3A] : memref<8x128xi32, #tpu.memory_space<vmem>> -> memref<1x128xi32, #tpu.memory_space<vmem>>
      %dma_wait3A_15 = tpu.memref_squeeze %dma_wait3A_14 : memref<1x128xi32, #tpu.memory_space<vmem>> -> memref<128xi32, #tpu.memory_space<vmem>>
      %dma_wait3A_16 = arith.constant 0 : i32
      %dma_wait3A_17 = arith.constant 0 : i32
      %dma_wait3A_18 = tpu.memref_slice %arg3[%dma_wait3A_16, %dma_wait3A_17] : memref<100001x128xf32, #tpu.memory_space<hbm>> -> memref<100001x128xf32, #tpu.memory_space<hbm>>
      tpu.wait_indirect_dma semaphore(%arg7 : memref<!tpu.dma_semaphore, #tpu.memory_space<semaphore_mem>>) src(%dma_wait3A_18 : memref<100001x128xf32, #tpu.memory_space<hbm>>) dst(%arg6 : memref<128x128xf32, #tpu.memory_space<vmem>>)
      %mul3A_19 = arith.constant 128 : i32
      %mul3A_20 = arith.muli %scan3A_8, %mul3A_19 : i32
      %add3A_21 = arith.addi %mul3A_2, %mul3A_20 : i32
      "tpu.region"() ({
        %run_scoped3A = tpu.sem_alloc : memref<!tpu.dma_semaphore, #tpu.memory_space<semaphore_mem>>
        %dma_start3A_22 = arith.constant 0 : i32
        %dma_start3A_23 = tpu.memref_slice %arg4[%add3A_21, %dma_start3A_22] : memref<32768x128xf32, #tpu.memory_space<hbm>> -> memref<128x128xf32, #tpu.memory_space<hbm>>
        %dma_start3A_24 = arith.constant 0 : i32
        %dma_start3A_25 = tpu.memref_slice %arg4[%add3A_21, %dma_start3A_24] : memref<32768x128xf32, #tpu.memory_space<hbm>> -> memref<128x128xf32, #tpu.memory_space<hbm>>
        tpu.enqueue_dma source(%arg6 : memref<128x128xf32, #tpu.memory_space<vmem>>) target(%dma_start3A_25 : memref<128x128xf32, #tpu.memory_space<hbm>>) target_semaphore(%run_scoped3A : memref<!tpu.dma_semaphore, #tpu.memory_space<semaphore_mem>>)
        %dma_wait3A_26 = arith.constant 0 : i32
        %dma_wait3A_27 = tpu.memref_slice %arg4[%add3A_21, %dma_wait3A_26] : memref<32768x128xf32, #tpu.memory_space<hbm>> -> memref<128x128xf32, #tpu.memory_space<hbm>>
        %dma_wait3A_28 = arith.constant 0 : i32
        %dma_wait3A_29 = tpu.memref_slice %arg4[%add3A_21, %dma_wait3A_28] : memref<32768x128xf32, #tpu.memory_space<hbm>> -> memref<128x128xf32, #tpu.memory_space<hbm>>
        tpu.wait_dma2 semaphore(%run_scoped3A : memref<!tpu.dma_semaphore, #tpu.memory_space<semaphore_mem>>) src(%arg6 : memref<128x128xf32, #tpu.memory_space<vmem>>) dst(%dma_wait3A_29 : memref<128x128xf32, #tpu.memory_space<hbm>>)
        tpu.yield
      }) : () -> ()
    }
    %scan3A_7 = arith.constant 8 : i32
    return
  }
}

module attributes {stable_mosaic.version = 14 : i64} {
  func.func @_gnn_body(%arg0: i32, %arg1: memref<1280x128xf32, #tpu.memory_space<vmem>>, %arg2: memref<40x32xi32, #tpu.memory_space<vmem>>, %arg3: memref<40x32x32xf32, #tpu.memory_space<vmem>>, %arg4: memref<256x256xbf16, #tpu.memory_space<vmem>>, %arg5: memref<40x1280xbf16, #tpu.memory_space<vmem>>, %arg6: memref<32x256xbf16, #tpu.memory_space<vmem>>, %arg7: memref<8x128xbf16, #tpu.memory_space<vmem>>, %arg8: memref<128x128xbf16, #tpu.memory_space<vmem>>, %arg9: memref<128x128xbf16, #tpu.memory_space<vmem>>, %arg10: memref<128x128xbf16, #tpu.memory_space<vmem>>, %arg11: memref<40x128xf32, #tpu.memory_space<vmem>>, %arg12: memref<1280x128xbf16, #tpu.memory_space<vmem>>, %arg13: memref<1280x128xbf16, #tpu.memory_space<vmem>>, %arg14: memref<1280x256xbf16, #tpu.memory_space<vmem>>) attributes {dimension_semantics = [#tpu.dimension_semantics<arbitrary>], iteration_bounds = array<i64: 25>, scalar_prefetch = 0 : i64, scratch_operands = 3 : i64, tpu.core_type = #tpu.core_type<tc>, window_params = [{transform_indices = @transform_0, window_bounds = array<i64: 1280, 128>}, {transform_indices = @transform_1, window_bounds = array<i64: 40, 32>}, {transform_indices = @transform_2, window_bounds = array<i64: 40, 32, 32>}, {pipeline_mode = #tpu.pipeline_mode<synchronous>, transform_indices = @transform_3, window_bounds = array<i64: 256, 256>}, {pipeline_mode = #tpu.pipeline_mode<synchronous>, transform_indices = @transform_4, window_bounds = array<i64: 40, 1280>}, {pipeline_mode = #tpu.pipeline_mode<synchronous>, transform_indices = @transform_5, window_bounds = array<i64: 32, 256>}, {pipeline_mode = #tpu.pipeline_mode<synchronous>, transform_indices = @transform_6, window_bounds = array<i64: 8, 128>}, {pipeline_mode = #tpu.pipeline_mode<synchronous>, transform_indices = @transform_7, window_bounds = array<i64: 128, 128>}, {pipeline_mode = #tpu.pipeline_mode<synchronous>, transform_indices = @transform_8, window_bounds = array<i64: 128, 128>}, {pipeline_mode = #tpu.pipeline_mode<synchronous>, transform_indices = @transform_9, window_bounds = array<i64: 128, 128>}, {transform_indices = @transform_10, window_bounds = array<i64: 40, 128>}]} {
    %get3A = arith.constant 0 : index
    %get3A_0 = arith.constant 0 : index
    %get3A_1 = vector.load %arg7[%get3A, %get3A_0] : memref<8x128xbf16, #tpu.memory_space<vmem>>, vector<8x128xbf16>
    %get3A_2 = arith.constant 0 : index
    %get3A_3 = arith.constant 0 : index
    %get3A_4 = vector.load %arg4[%get3A_2, %get3A_3] : memref<256x256xbf16, #tpu.memory_space<vmem>>, vector<256x256xbf16>
    %get3A_5 = arith.constant 0 : index
    %get3A_6 = arith.constant 0 : index
    %get3A_7 = vector.load %arg6[%get3A_5, %get3A_6] : memref<32x256xbf16, #tpu.memory_space<vmem>>, vector<32x256xbf16>
    %broadcast_in_dim3A = arith.constant 1.000000e+00 : bf16
    %broadcast_in_dim3A_8 = vector.broadcast %broadcast_in_dim3A : bf16 to vector<32x8xbf16>
    %get3A_9 = arith.constant 0 : index
    %get3A_10 = arith.constant 0 : index
    %get3A_11 = vector.load %arg2[%get3A_9, %get3A_10] : memref<40x32xi32, #tpu.memory_space<vmem>>, vector<8x32xi32>
    %broadcast_in_dim3A_12 = vector.shape_cast %get3A_11 : vector<8x32xi32> to vector<8x32x1xi32>
    %iota3A = tpu.iota {dimensions = array<i32: 2>} : vector<8x32x8xi32>
    %eq3A = vector.broadcast %broadcast_in_dim3A_12 : vector<8x32x1xi32> to vector<8x32x8xi32>
    %eq3A_13 = arith.cmpi eq, %eq3A, %iota3A : vector<8x32x8xi32>
    %convert_element_type3A = arith.extui %eq3A_13 : vector<8x32x8xi1> to vector<8x32x8xi32>
    %convert_element_type3A_14 = arith.sitofp %convert_element_type3A : vector<8x32x8xi32> to vector<8x32x8xf32>
    %convert_element_type3A_15 = arith.truncf %convert_element_type3A_14 : vector<8x32x8xf32> to vector<8x32x8xbf16>
    %reshape3A = vector.shape_cast %convert_element_type3A_15 : vector<8x32x8xbf16> to vector<256x8xbf16>
    %dot_general3A = arith.constant dense<0.000000e+00> : vector<256x128xf32>
    %dot_general3A_16 = tpu.matmul %reshape3A, %get3A_1, %dot_general3A {dimension_numbers = #tpu.dot_dimension_numbers<[1], [0], [0], [1], [0, 0, 1, 1], [], []>, transpose_lhs_hint = false} : vector<256x8xbf16>, vector<8x128xbf16>, vector<256x128xf32> -> vector<256x128xf32>
    %get3A_17 = arith.constant 0 : index
    %get3A_18 = arith.constant 0 : index
    %get3A_19 = vector.load %arg1[%get3A_17, %get3A_18] : memref<1280x128xf32, #tpu.memory_space<vmem>>, vector<256x128xf32>
    %add3A = arith.addf %get3A_19, %dot_general3A_16 : vector<256x128xf32>
    %convert_element_type3A_20 = arith.truncf %add3A : vector<256x128xf32> to vector<256x128xbf16>
    %swap3A = arith.constant 0 : index
    %swap3A_21 = arith.constant 0 : index
    %swap3A_22 = vector.load %arg12[%swap3A, %swap3A_21] : memref<1280x128xbf16, #tpu.memory_space<vmem>>, vector<256x128xbf16>
    tpu.vector_store %arg12[%swap3A, %swap3A_21], %convert_element_type3A_20 {strides = array<i32>} : memref<1280x128xbf16, #tpu.memory_space<vmem>>, vector<256x128xbf16>,
    %get3A_23 = arith.constant 0 : index
    %get3A_24 = arith.constant 0 : index
    %get3A_25 = arith.constant 0 : index
    %get3A_26 = vector.load %arg3[%get3A_23, %get3A_24, %get3A_25] : memref<40x32x32xf32, #tpu.memory_space<vmem>>, vector<8x32x32xf32>
    %reshape3A_27 = vector.shape_cast %get3A_26 : vector<8x32x32xf32> to vector<256x32xf32>
    %convert_element_type3A_28 = arith.truncf %reshape3A_27 : vector<256x32xf32> to vector<256x32xbf16>
    %dot_general3A_29 = arith.constant dense<0.000000e+00> : vector<256x8xf32>
    %dot_general3A_30 = tpu.matmul %convert_element_type3A_28, %broadcast_in_dim3A_8, %dot_general3A_29 {dimension_numbers = #tpu.dot_dimension_numbers<[1], [0], [0], [1], [0, 0, 1, 1], [], []>, transpose_lhs_hint = false} : vector<256x32xbf16>, vector<32x8xbf16>, vector<256x8xf32> -> vector<256x8xf32>
    %slice3A = vector.extract_strided_slice %dot_general3A_30 {offsets = [0, 0], sizes = [256, 1], strides = [1, 1]} : vector<256x8xf32> to vector<256x1xf32>
    %add3A_31 = arith.constant 9.99999997E-7 : f32
    %add3A_32 = vector.broadcast %add3A_31 : f32 to vector<256x1xf32>
    %add3A_33 = arith.addf %slice3A, %add3A_32 : vector<256x1xf32>
    %div3A = arith.constant 1.000000e+00 : f32
    %div3A_34 = vector.broadcast %div3A : f32 to vector<256x1xf32>
    %div3A_35 = arith.divf %div3A_34, %add3A_33 : vector<256x1xf32>
    %convert_element_type3A_36 = arith.truncf %div3A_35 : vector<256x1xf32> to vector<256x1xbf16>
    %mul3A = vector.broadcast %convert_element_type3A_36 : vector<256x1xbf16> to vector<256x32xbf16>
    %mul3A_37 = arith.mulf %convert_element_type3A_28, %mul3A : vector<256x32xbf16>
    %dot_general3A_38 = arith.constant dense<0.000000e+00> : vector<256x256xf32>
    %dot_general3A_39 = tpu.matmul %mul3A_37, %get3A_7, %dot_general3A_38 {dimension_numbers = #tpu.dot_dimension_numbers<[1], [0], [0], [1], [0, 0, 1, 1], [], []>, transpose_lhs_hint = false} : vector<256x32xbf16>, vector<32x256xbf16>, vector<256x256xf32> -> vector<256x256xf32>
    %convert_element_type3A_40 = arith.truncf %dot_general3A_39 : vector<256x256xf32> to vector<256x256xbf16>
    %mul3A_41 = arith.mulf %convert_element_type3A_40, %get3A_4 : vector<256x256xbf16>
    %swap3A_42 = arith.constant 0 : index
    %swap3A_43 = arith.constant 0 : index
    %swap3A_44 = vector.load %arg14[%swap3A_42, %swap3A_43] : memref<1280x256xbf16, #tpu.memory_space<vmem>>, vector<256x256xbf16>
    tpu.vector_store %arg14[%swap3A_42, %swap3A_43], %mul3A_41 {strides = array<i32>} : memref<1280x256xbf16, #tpu.memory_space<vmem>>, vector<256x256xbf16>,
    %get3A_45 = arith.constant 8 : index
    %get3A_46 = arith.constant 0 : index
    %get3A_47 = vector.load %arg2[%get3A_45, %get3A_46] : memref<40x32xi32, #tpu.memory_space<vmem>>, vector<8x32xi32>
    %broadcast_in_dim3A_48 = vector.shape_cast %get3A_47 : vector<8x32xi32> to vector<8x32x1xi32>
    %iota3A_49 = tpu.iota {dimensions = array<i32: 2>} : vector<8x32x8xi32>
    %eq3A_50 = vector.broadcast %broadcast_in_dim3A_48 : vector<8x32x1xi32> to vector<8x32x8xi32>
    %eq3A_51 = arith.cmpi eq, %eq3A_50, %iota3A_49 : vector<8x32x8xi32>
    %convert_element_type3A_52 = arith.extui %eq3A_51 : vector<8x32x8xi1> to vector<8x32x8xi32>
    %convert_element_type3A_53 = arith.sitofp %convert_element_type3A_52 : vector<8x32x8xi32> to vector<8x32x8xf32>
    %convert_element_type3A_54 = arith.truncf %convert_element_type3A_53 : vector<8x32x8xf32> to vector<8x32x8xbf16>
    %reshape3A_55 = vector.shape_cast %convert_element_type3A_54 : vector<8x32x8xbf16> to vector<256x8xbf16>
    %dot_general3A_56 = arith.constant dense<0.000000e+00> : vector<256x128xf32>
    %dot_general3A_57 = tpu.matmul %reshape3A_55, %get3A_1, %dot_general3A_56 {dimension_numbers = #tpu.dot_dimension_numbers<[1], [0], [0], [1], [0, 0, 1, 1], [], []>, transpose_lhs_hint = false} : vector<256x8xbf16>, vector<8x128xbf16>, vector<256x128xf32> -> vector<256x128xf32>
    %get3A_58 = arith.constant 256 : index
    %get3A_59 = arith.constant 0 : index
    %get3A_60 = vector.load %arg1[%get3A_58, %get3A_59] : memref<1280x128xf32, #tpu.memory_space<vmem>>, vector<256x128xf32>
    %add3A_61 = arith.addf %get3A_60, %dot_general3A_57 : vector<256x128xf32>
    %convert_element_type3A_62 = arith.truncf %add3A_61 : vector<256x128xf32> to vector<256x128xbf16>
    %swap3A_63 = arith.constant 256 : index
    %swap3A_64 = arith.constant 0 : index
    %swap3A_65 = vector.load %arg12[%swap3A_63, %swap3A_64] : memref<1280x128xbf16, #tpu.memory_space<vmem>>, vector<256x128xbf16>
    tpu.vector_store %arg12[%swap3A_63, %swap3A_64], %convert_element_type3A_62 {strides = array<i32>} : memref<1280x128xbf16, #tpu.memory_space<vmem>>, vector<256x128xbf16>,
    %get3A_66 = arith.constant 8 : index
    %get3A_67 = arith.constant 0 : index
    %get3A_68 = arith.constant 0 : index
    %get3A_69 = vector.load %arg3[%get3A_66, %get3A_67, %get3A_68] : memref<40x32x32xf32, #tpu.memory_space<vmem>>, vector<8x32x32xf32>
    %reshape3A_70 = vector.shape_cast %get3A_69 : vector<8x32x32xf32> to vector<256x32xf32>
    %convert_element_type3A_71 = arith.truncf %reshape3A_70 : vector<256x32xf32> to vector<256x32xbf16>
    %dot_general3A_72 = arith.constant dense<0.000000e+00> : vector<256x8xf32>
    %dot_general3A_73 = tpu.matmul %convert_element_type3A_71, %broadcast_in_dim3A_8, %dot_general3A_72 {dimension_numbers = #tpu.dot_dimension_numbers<[1], [0], [0], [1], [0, 0, 1, 1], [], []>, transpose_lhs_hint = false} : vector<256x32xbf16>, vector<32x8xbf16>, vector<256x8xf32> -> vector<256x8xf32>
    %slice3A_74 = vector.extract_strided_slice %dot_general3A_73 {offsets = [0, 0], sizes = [256, 1], strides = [1, 1]} : vector<256x8xf32> to vector<256x1xf32>
    %add3A_75 = arith.constant 9.99999997E-7 : f32
    %add3A_76 = vector.broadcast %add3A_75 : f32 to vector<256x1xf32>
    %add3A_77 = arith.addf %slice3A_74, %add3A_76 : vector<256x1xf32>
    %div3A_78 = arith.constant 1.000000e+00 : f32
    %div3A_79 = vector.broadcast %div3A_78 : f32 to vector<256x1xf32>
    %div3A_80 = arith.divf %div3A_79, %add3A_77 : vector<256x1xf32>
    %convert_element_type3A_81 = arith.truncf %div3A_80 : vector<256x1xf32> to vector<256x1xbf16>
    %mul3A_82 = vector.broadcast %convert_element_type3A_81 : vector<256x1xbf16> to vector<256x32xbf16>
    %mul3A_83 = arith.mulf %convert_element_type3A_71, %mul3A_82 : vector<256x32xbf16>
    %dot_general3A_84 = arith.constant dense<0.000000e+00> : vector<256x256xf32>
    %dot_general3A_85 = tpu.matmul %mul3A_83, %get3A_7, %dot_general3A_84 {dimension_numbers = #tpu.dot_dimension_numbers<[1], [0], [0], [1], [0, 0, 1, 1], [], []>, transpose_lhs_hint = false} : vector<256x32xbf16>, vector<32x256xbf16>, vector<256x256xf32> -> vector<256x256xf32>
    %convert_element_type3A_86 = arith.truncf %dot_general3A_85 : vector<256x256xf32> to vector<256x256xbf16>
    %mul3A_87 = arith.mulf %convert_element_type3A_86, %get3A_4 : vector<256x256xbf16>
    %swap3A_88 = arith.constant 256 : index
    %swap3A_89 = arith.constant 0 : index
    %swap3A_90 = vector.load %arg14[%swap3A_88, %swap3A_89] : memref<1280x256xbf16, #tpu.memory_space<vmem>>, vector<256x256xbf16>
    tpu.vector_store %arg14[%swap3A_88, %swap3A_89], %mul3A_87 {strides = array<i32>} : memref<1280x256xbf16, #tpu.memory_space<vmem>>, vector<256x256xbf16>,
    %get3A_91 = arith.constant 16 : index
    %get3A_92 = arith.constant 0 : index
    %get3A_93 = vector.load %arg2[%get3A_91, %get3A_92] : memref<40x32xi32, #tpu.memory_space<vmem>>, vector<8x32xi32>
    %broadcast_in_dim3A_94 = vector.shape_cast %get3A_93 : vector<8x32xi32> to vector<8x32x1xi32>
    %iota3A_95 = tpu.iota {dimensions = array<i32: 2>} : vector<8x32x8xi32>
    %eq3A_96 = vector.broadcast %broadcast_in_dim3A_94 : vector<8x32x1xi32> to vector<8x32x8xi32>
    %eq3A_97 = arith.cmpi eq, %eq3A_96, %iota3A_95 : vector<8x32x8xi32>
    %convert_element_type3A_98 = arith.extui %eq3A_97 : vector<8x32x8xi1> to vector<8x32x8xi32>
    %convert_element_type3A_99 = arith.sitofp %convert_element_type3A_98 : vector<8x32x8xi32> to vector<8x32x8xf32>
    %convert_element_type3A_100 = arith.truncf %convert_element_type3A_99 : vector<8x32x8xf32> to vector<8x32x8xbf16>
    %reshape3A_101 = vector.shape_cast %convert_element_type3A_100 : vector<8x32x8xbf16> to vector<256x8xbf16>
    %dot_general3A_102 = arith.constant dense<0.000000e+00> : vector<256x128xf32>
    %dot_general3A_103 = tpu.matmul %reshape3A_101, %get3A_1, %dot_general3A_102 {dimension_numbers = #tpu.dot_dimension_numbers<[1], [0], [0], [1], [0, 0, 1, 1], [], []>, transpose_lhs_hint = false} : vector<256x8xbf16>, vector<8x128xbf16>, vector<256x128xf32> -> vector<256x128xf32>
    %get3A_104 = arith.constant 512 : index
    %get3A_105 = arith.constant 0 : index
    %get3A_106 = vector.load %arg1[%get3A_104, %get3A_105] : memref<1280x128xf32, #tpu.memory_space<vmem>>, vector<256x128xf32>
    %add3A_107 = arith.addf %get3A_106, %dot_general3A_103 : vector<256x128xf32>
    %convert_element_type3A_108 = arith.truncf %add3A_107 : vector<256x128xf32> to vector<256x128xbf16>
    %swap3A_109 = arith.constant 512 : index
    %swap3A_110 = arith.constant 0 : index
    %swap3A_111 = vector.load %arg12[%swap3A_109, %swap3A_110] : memref<1280x128xbf16, #tpu.memory_space<vmem>>, vector<256x128xbf16>
    tpu.vector_store %arg12[%swap3A_109, %swap3A_110], %convert_element_type3A_108 {strides = array<i32>} : memref<1280x128xbf16, #tpu.memory_space<vmem>>, vector<256x128xbf16>,
    %get3A_112 = arith.constant 16 : index
    %get3A_113 = arith.constant 0 : index
    %get3A_114 = arith.constant 0 : index
    %get3A_115 = vector.load %arg3[%get3A_112, %get3A_113, %get3A_114] : memref<40x32x32xf32, #tpu.memory_space<vmem>>, vector<8x32x32xf32>
    %reshape3A_116 = vector.shape_cast %get3A_115 : vector<8x32x32xf32> to vector<256x32xf32>
    %convert_element_type3A_117 = arith.truncf %reshape3A_116 : vector<256x32xf32> to vector<256x32xbf16>
    %dot_general3A_118 = arith.constant dense<0.000000e+00> : vector<256x8xf32>
    %dot_general3A_119 = tpu.matmul %convert_element_type3A_117, %broadcast_in_dim3A_8, %dot_general3A_118 {dimension_numbers = #tpu.dot_dimension_numbers<[1], [0], [0], [1], [0, 0, 1, 1], [], []>, transpose_lhs_hint = false} : vector<256x32xbf16>, vector<32x8xbf16>, vector<256x8xf32> -> vector<256x8xf32>
    %slice3A_120 = vector.extract_strided_slice %dot_general3A_119 {offsets = [0, 0], sizes = [256, 1], strides = [1, 1]} : vector<256x8xf32> to vector<256x1xf32>
    %add3A_121 = arith.constant 9.99999997E-7 : f32
    %add3A_122 = vector.broadcast %add3A_121 : f32 to vector<256x1xf32>
    %add3A_123 = arith.addf %slice3A_120, %add3A_122 : vector<256x1xf32>
    %div3A_124 = arith.constant 1.000000e+00 : f32
    %div3A_125 = vector.broadcast %div3A_124 : f32 to vector<256x1xf32>
    %div3A_126 = arith.divf %div3A_125, %add3A_123 : vector<256x1xf32>
    %convert_element_type3A_127 = arith.truncf %div3A_126 : vector<256x1xf32> to vector<256x1xbf16>
    %mul3A_128 = vector.broadcast %convert_element_type3A_127 : vector<256x1xbf16> to vector<256x32xbf16>
    %mul3A_129 = arith.mulf %convert_element_type3A_117, %mul3A_128 : vector<256x32xbf16>
    %dot_general3A_130 = arith.constant dense<0.000000e+00> : vector<256x256xf32>
    %dot_general3A_131 = tpu.matmul %mul3A_129, %get3A_7, %dot_general3A_130 {dimension_numbers = #tpu.dot_dimension_numbers<[1], [0], [0], [1], [0, 0, 1, 1], [], []>, transpose_lhs_hint = false} : vector<256x32xbf16>, vector<32x256xbf16>, vector<256x256xf32> -> vector<256x256xf32>
    %convert_element_type3A_132 = arith.truncf %dot_general3A_131 : vector<256x256xf32> to vector<256x256xbf16>
    %mul3A_133 = arith.mulf %convert_element_type3A_132, %get3A_4 : vector<256x256xbf16>
    %swap3A_134 = arith.constant 512 : index
    %swap3A_135 = arith.constant 0 : index
    %swap3A_136 = vector.load %arg14[%swap3A_134, %swap3A_135] : memref<1280x256xbf16, #tpu.memory_space<vmem>>, vector<256x256xbf16>
    tpu.vector_store %arg14[%swap3A_134, %swap3A_135], %mul3A_133 {strides = array<i32>} : memref<1280x256xbf16, #tpu.memory_space<vmem>>, vector<256x256xbf16>,
    %get3A_137 = arith.constant 24 : index
    %get3A_138 = arith.constant 0 : index
    %get3A_139 = vector.load %arg2[%get3A_137, %get3A_138] : memref<40x32xi32, #tpu.memory_space<vmem>>, vector<8x32xi32>
    %broadcast_in_dim3A_140 = vector.shape_cast %get3A_139 : vector<8x32xi32> to vector<8x32x1xi32>
    %iota3A_141 = tpu.iota {dimensions = array<i32: 2>} : vector<8x32x8xi32>
    %eq3A_142 = vector.broadcast %broadcast_in_dim3A_140 : vector<8x32x1xi32> to vector<8x32x8xi32>
    %eq3A_143 = arith.cmpi eq, %eq3A_142, %iota3A_141 : vector<8x32x8xi32>
    %convert_element_type3A_144 = arith.extui %eq3A_143 : vector<8x32x8xi1> to vector<8x32x8xi32>
    %convert_element_type3A_145 = arith.sitofp %convert_element_type3A_144 : vector<8x32x8xi32> to vector<8x32x8xf32>
    %convert_element_type3A_146 = arith.truncf %convert_element_type3A_145 : vector<8x32x8xf32> to vector<8x32x8xbf16>
    %reshape3A_147 = vector.shape_cast %convert_element_type3A_146 : vector<8x32x8xbf16> to vector<256x8xbf16>
    %dot_general3A_148 = arith.constant dense<0.000000e+00> : vector<256x128xf32>
    %dot_general3A_149 = tpu.matmul %reshape3A_147, %get3A_1, %dot_general3A_148 {dimension_numbers = #tpu.dot_dimension_numbers<[1], [0], [0], [1], [0, 0, 1, 1], [], []>, transpose_lhs_hint = false} : vector<256x8xbf16>, vector<8x128xbf16>, vector<256x128xf32> -> vector<256x128xf32>
    %get3A_150 = arith.constant 768 : index
    %get3A_151 = arith.constant 0 : index
    %get3A_152 = vector.load %arg1[%get3A_150, %get3A_151] : memref<1280x128xf32, #tpu.memory_space<vmem>>, vector<256x128xf32>
    %add3A_153 = arith.addf %get3A_152, %dot_general3A_149 : vector<256x128xf32>
    %convert_element_type3A_154 = arith.truncf %add3A_153 : vector<256x128xf32> to vector<256x128xbf16>
    %swap3A_155 = arith.constant 768 : index
    %swap3A_156 = arith.constant 0 : index
    %swap3A_157 = vector.load %arg12[%swap3A_155, %swap3A_156] : memref<1280x128xbf16, #tpu.memory_space<vmem>>, vector<256x128xbf16>
    tpu.vector_store %arg12[%swap3A_155, %swap3A_156], %convert_element_type3A_154 {strides = array<i32>} : memref<1280x128xbf16, #tpu.memory_space<vmem>>, vector<256x128xbf16>,
    %get3A_158 = arith.constant 24 : index
    %get3A_159 = arith.constant 0 : index
    %get3A_160 = arith.constant 0 : index
    %get3A_161 = vector.load %arg3[%get3A_158, %get3A_159, %get3A_160] : memref<40x32x32xf32, #tpu.memory_space<vmem>>, vector<8x32x32xf32>
    %reshape3A_162 = vector.shape_cast %get3A_161 : vector<8x32x32xf32> to vector<256x32xf32>
    %convert_element_type3A_163 = arith.truncf %reshape3A_162 : vector<256x32xf32> to vector<256x32xbf16>
    %dot_general3A_164 = arith.constant dense<0.000000e+00> : vector<256x8xf32>
    %dot_general3A_165 = tpu.matmul %convert_element_type3A_163, %broadcast_in_dim3A_8, %dot_general3A_164 {dimension_numbers = #tpu.dot_dimension_numbers<[1], [0], [0], [1], [0, 0, 1, 1], [], []>, transpose_lhs_hint = false} : vector<256x32xbf16>, vector<32x8xbf16>, vector<256x8xf32> -> vector<256x8xf32>
    %slice3A_166 = vector.extract_strided_slice %dot_general3A_165 {offsets = [0, 0], sizes = [256, 1], strides = [1, 1]} : vector<256x8xf32> to vector<256x1xf32>
    %add3A_167 = arith.constant 9.99999997E-7 : f32
    %add3A_168 = vector.broadcast %add3A_167 : f32 to vector<256x1xf32>
    %add3A_169 = arith.addf %slice3A_166, %add3A_168 : vector<256x1xf32>
    %div3A_170 = arith.constant 1.000000e+00 : f32
    %div3A_171 = vector.broadcast %div3A_170 : f32 to vector<256x1xf32>
    %div3A_172 = arith.divf %div3A_171, %add3A_169 : vector<256x1xf32>
    %convert_element_type3A_173 = arith.truncf %div3A_172 : vector<256x1xf32> to vector<256x1xbf16>
    %mul3A_174 = vector.broadcast %convert_element_type3A_173 : vector<256x1xbf16> to vector<256x32xbf16>
    %mul3A_175 = arith.mulf %convert_element_type3A_163, %mul3A_174 : vector<256x32xbf16>
    %dot_general3A_176 = arith.constant dense<0.000000e+00> : vector<256x256xf32>
    %dot_general3A_177 = tpu.matmul %mul3A_175, %get3A_7, %dot_general3A_176 {dimension_numbers = #tpu.dot_dimension_numbers<[1], [0], [0], [1], [0, 0, 1, 1], [], []>, transpose_lhs_hint = false} : vector<256x32xbf16>, vector<32x256xbf16>, vector<256x256xf32> -> vector<256x256xf32>
    %convert_element_type3A_178 = arith.truncf %dot_general3A_177 : vector<256x256xf32> to vector<256x256xbf16>
    %mul3A_179 = arith.mulf %convert_element_type3A_178, %get3A_4 : vector<256x256xbf16>
    %swap3A_180 = arith.constant 768 : index
    %swap3A_181 = arith.constant 0 : index
    %swap3A_182 = vector.load %arg14[%swap3A_180, %swap3A_181] : memref<1280x256xbf16, #tpu.memory_space<vmem>>, vector<256x256xbf16>
    tpu.vector_store %arg14[%swap3A_180, %swap3A_181], %mul3A_179 {strides = array<i32>} : memref<1280x256xbf16, #tpu.memory_space<vmem>>, vector<256x256xbf16>,
    %get3A_183 = arith.constant 32 : index
    %get3A_184 = arith.constant 0 : index
    %get3A_185 = vector.load %arg2[%get3A_183, %get3A_184] : memref<40x32xi32, #tpu.memory_space<vmem>>, vector<8x32xi32>
    %broadcast_in_dim3A_186 = vector.shape_cast %get3A_185 : vector<8x32xi32> to vector<8x32x1xi32>
    %iota3A_187 = tpu.iota {dimensions = array<i32: 2>} : vector<8x32x8xi32>
    %eq3A_188 = vector.broadcast %broadcast_in_dim3A_186 : vector<8x32x1xi32> to vector<8x32x8xi32>
    %eq3A_189 = arith.cmpi eq, %eq3A_188, %iota3A_187 : vector<8x32x8xi32>
    %convert_element_type3A_190 = arith.extui %eq3A_189 : vector<8x32x8xi1> to vector<8x32x8xi32>
    %convert_element_type3A_191 = arith.sitofp %convert_element_type3A_190 : vector<8x32x8xi32> to vector<8x32x8xf32>
    %convert_element_type3A_192 = arith.truncf %convert_element_type3A_191 : vector<8x32x8xf32> to vector<8x32x8xbf16>
    %reshape3A_193 = vector.shape_cast %convert_element_type3A_192 : vector<8x32x8xbf16> to vector<256x8xbf16>
    %dot_general3A_194 = arith.constant dense<0.000000e+00> : vector<256x128xf32>
    %dot_general3A_195 = tpu.matmul %reshape3A_193, %get3A_1, %dot_general3A_194 {dimension_numbers = #tpu.dot_dimension_numbers<[1], [0], [0], [1], [0, 0, 1, 1], [], []>, transpose_lhs_hint = false} : vector<256x8xbf16>, vector<8x128xbf16>, vector<256x128xf32> -> vector<256x128xf32>
    %get3A_196 = arith.constant 1024 : index
    %get3A_197 = arith.constant 0 : index
    %get3A_198 = vector.load %arg1[%get3A_196, %get3A_197] : memref<1280x128xf32, #tpu.memory_space<vmem>>, vector<256x128xf32>
    %add3A_199 = arith.addf %get3A_198, %dot_general3A_195 : vector<256x128xf32>
    %convert_element_type3A_200 = arith.truncf %add3A_199 : vector<256x128xf32> to vector<256x128xbf16>
    %swap3A_201 = arith.constant 1024 : index
    %swap3A_202 = arith.constant 0 : index
    %swap3A_203 = vector.load %arg12[%swap3A_201, %swap3A_202] : memref<1280x128xbf16, #tpu.memory_space<vmem>>, vector<256x128xbf16>
    tpu.vector_store %arg12[%swap3A_201, %swap3A_202], %convert_element_type3A_200 {strides = array<i32>} : memref<1280x128xbf16, #tpu.memory_space<vmem>>, vector<256x128xbf16>,
    %get3A_204 = arith.constant 32 : index
    %get3A_205 = arith.constant 0 : index
    %get3A_206 = arith.constant 0 : index
    %get3A_207 = vector.load %arg3[%get3A_204, %get3A_205, %get3A_206] : memref<40x32x32xf32, #tpu.memory_space<vmem>>, vector<8x32x32xf32>
    %reshape3A_208 = vector.shape_cast %get3A_207 : vector<8x32x32xf32> to vector<256x32xf32>
    %convert_element_type3A_209 = arith.truncf %reshape3A_208 : vector<256x32xf32> to vector<256x32xbf16>
    %dot_general3A_210 = arith.constant dense<0.000000e+00> : vector<256x8xf32>
    %dot_general3A_211 = tpu.matmul %convert_element_type3A_209, %broadcast_in_dim3A_8, %dot_general3A_210 {dimension_numbers = #tpu.dot_dimension_numbers<[1], [0], [0], [1], [0, 0, 1, 1], [], []>, transpose_lhs_hint = false} : vector<256x32xbf16>, vector<32x8xbf16>, vector<256x8xf32> -> vector<256x8xf32>
    %slice3A_212 = vector.extract_strided_slice %dot_general3A_211 {offsets = [0, 0], sizes = [256, 1], strides = [1, 1]} : vector<256x8xf32> to vector<256x1xf32>
    %add3A_213 = arith.constant 9.99999997E-7 : f32
    %add3A_214 = vector.broadcast %add3A_213 : f32 to vector<256x1xf32>
    %add3A_215 = arith.addf %slice3A_212, %add3A_214 : vector<256x1xf32>
    %div3A_216 = arith.constant 1.000000e+00 : f32
    %div3A_217 = vector.broadcast %div3A_216 : f32 to vector<256x1xf32>
    %div3A_218 = arith.divf %div3A_217, %add3A_215 : vector<256x1xf32>
    %convert_element_type3A_219 = arith.truncf %div3A_218 : vector<256x1xf32> to vector<256x1xbf16>
    %mul3A_220 = vector.broadcast %convert_element_type3A_219 : vector<256x1xbf16> to vector<256x32xbf16>
    %mul3A_221 = arith.mulf %convert_element_type3A_209, %mul3A_220 : vector<256x32xbf16>
    %dot_general3A_222 = arith.constant dense<0.000000e+00> : vector<256x256xf32>
    %dot_general3A_223 = tpu.matmul %mul3A_221, %get3A_7, %dot_general3A_222 {dimension_numbers = #tpu.dot_dimension_numbers<[1], [0], [0], [1], [0, 0, 1, 1], [], []>, transpose_lhs_hint = false} : vector<256x32xbf16>, vector<32x256xbf16>, vector<256x256xf32> -> vector<256x256xf32>
    %convert_element_type3A_224 = arith.truncf %dot_general3A_223 : vector<256x256xf32> to vector<256x256xbf16>
    %mul3A_225 = arith.mulf %convert_element_type3A_224, %get3A_4 : vector<256x256xbf16>
    %swap3A_226 = arith.constant 1024 : index
    %swap3A_227 = arith.constant 0 : index
    %swap3A_228 = vector.load %arg14[%swap3A_226, %swap3A_227] : memref<1280x256xbf16, #tpu.memory_space<vmem>>, vector<256x256xbf16>
    tpu.vector_store %arg14[%swap3A_226, %swap3A_227], %mul3A_225 {strides = array<i32>} : memref<1280x256xbf16, #tpu.memory_space<vmem>>, vector<256x256xbf16>,
    %get3A_229 = arith.constant 0 : index
    %get3A_230 = arith.constant 0 : index
    %get3A_231 = vector.load %arg14[%get3A_229, %get3A_230] : memref<1280x256xbf16, #tpu.memory_space<vmem>>, vector<256x256xbf16>
    %get3A_232 = arith.constant 0 : index
    %get3A_233 = arith.constant 0 : index
    %get3A_234 = vector.load %arg12[%get3A_232, %get3A_233] : memref<1280x128xbf16, #tpu.memory_space<vmem>>, vector<256x128xbf16>
    %dot_general3A_235 = arith.constant dense<0.000000e+00> : vector<256x128xf32>
    %dot_general3A_236 = tpu.matmul %get3A_231, %get3A_234, %dot_general3A_235 {dimension_numbers = #tpu.dot_dimension_numbers<[1], [0], [0], [1], [0, 0, 1, 1], [], []>, transpose_lhs_hint = false} : vector<256x256xbf16>, vector<256x128xbf16>, vector<256x128xf32> -> vector<256x128xf32>
    %convert_element_type3A_237 = arith.truncf %dot_general3A_236 : vector<256x128xf32> to vector<256x128xbf16>
    %swap3A_238 = arith.constant 0 : index
    %swap3A_239 = arith.constant 0 : index
    %swap3A_240 = vector.load %arg13[%swap3A_238, %swap3A_239] : memref<1280x128xbf16, #tpu.memory_space<vmem>>, vector<256x128xbf16>
    tpu.vector_store %arg13[%swap3A_238, %swap3A_239], %convert_element_type3A_237 {strides = array<i32>} : memref<1280x128xbf16, #tpu.memory_space<vmem>>, vector<256x128xbf16>,
    %get3A_241 = arith.constant 256 : index
    %get3A_242 = arith.constant 0 : index
    %get3A_243 = vector.load %arg14[%get3A_241, %get3A_242] : memref<1280x256xbf16, #tpu.memory_space<vmem>>, vector<256x256xbf16>
    %get3A_244 = arith.constant 256 : index
    %get3A_245 = arith.constant 0 : index
    %get3A_246 = vector.load %arg12[%get3A_244, %get3A_245] : memref<1280x128xbf16, #tpu.memory_space<vmem>>, vector<256x128xbf16>
    %dot_general3A_247 = arith.constant dense<0.000000e+00> : vector<256x128xf32>
    %dot_general3A_248 = tpu.matmul %get3A_243, %get3A_246, %dot_general3A_247 {dimension_numbers = #tpu.dot_dimension_numbers<[1], [0], [0], [1], [0, 0, 1, 1], [], []>, transpose_lhs_hint = false} : vector<256x256xbf16>, vector<256x128xbf16>, vector<256x128xf32> -> vector<256x128xf32>
    %convert_element_type3A_249 = arith.truncf %dot_general3A_248 : vector<256x128xf32> to vector<256x128xbf16>
    %swap3A_250 = arith.constant 256 : index
    %swap3A_251 = arith.constant 0 : index
    %swap3A_252 = vector.load %arg13[%swap3A_250, %swap3A_251] : memref<1280x128xbf16, #tpu.memory_space<vmem>>, vector<256x128xbf16>
    tpu.vector_store %arg13[%swap3A_250, %swap3A_251], %convert_element_type3A_249 {strides = array<i32>} : memref<1280x128xbf16, #tpu.memory_space<vmem>>, vector<256x128xbf16>,
    %get3A_253 = arith.constant 512 : index
    %get3A_254 = arith.constant 0 : index
    %get3A_255 = vector.load %arg14[%get3A_253, %get3A_254] : memref<1280x256xbf16, #tpu.memory_space<vmem>>, vector<256x256xbf16>
    %get3A_256 = arith.constant 512 : index
    %get3A_257 = arith.constant 0 : index
    %get3A_258 = vector.load %arg12[%get3A_256, %get3A_257] : memref<1280x128xbf16, #tpu.memory_space<vmem>>, vector<256x128xbf16>
    %dot_general3A_259 = arith.constant dense<0.000000e+00> : vector<256x128xf32>
    %dot_general3A_260 = tpu.matmul %get3A_255, %get3A_258, %dot_general3A_259 {dimension_numbers = #tpu.dot_dimension_numbers<[1], [0], [0], [1], [0, 0, 1, 1], [], []>, transpose_lhs_hint = false} : vector<256x256xbf16>, vector<256x128xbf16>, vector<256x128xf32> -> vector<256x128xf32>
    %convert_element_type3A_261 = arith.truncf %dot_general3A_260 : vector<256x128xf32> to vector<256x128xbf16>
    %swap3A_262 = arith.constant 512 : index
    %swap3A_263 = arith.constant 0 : index
    %swap3A_264 = vector.load %arg13[%swap3A_262, %swap3A_263] : memref<1280x128xbf16, #tpu.memory_space<vmem>>, vector<256x128xbf16>
    tpu.vector_store %arg13[%swap3A_262, %swap3A_263], %convert_element_type3A_261 {strides = array<i32>} : memref<1280x128xbf16, #tpu.memory_space<vmem>>, vector<256x128xbf16>,
    %get3A_265 = arith.constant 768 : index
    %get3A_266 = arith.constant 0 : index
    %get3A_267 = vector.load %arg14[%get3A_265, %get3A_266] : memref<1280x256xbf16, #tpu.memory_space<vmem>>, vector<256x256xbf16>
    %get3A_268 = arith.constant 768 : index
    %get3A_269 = arith.constant 0 : index
    %get3A_270 = vector.load %arg12[%get3A_268, %get3A_269] : memref<1280x128xbf16, #tpu.memory_space<vmem>>, vector<256x128xbf16>
    %dot_general3A_271 = arith.constant dense<0.000000e+00> : vector<256x128xf32>
    %dot_general3A_272 = tpu.matmul %get3A_267, %get3A_270, %dot_general3A_271 {dimension_numbers = #tpu.dot_dimension_numbers<[1], [0], [0], [1], [0, 0, 1, 1], [], []>, transpose_lhs_hint = false} : vector<256x256xbf16>, vector<256x128xbf16>, vector<256x128xf32> -> vector<256x128xf32>
    %convert_element_type3A_273 = arith.truncf %dot_general3A_272 : vector<256x128xf32> to vector<256x128xbf16>
    %swap3A_274 = arith.constant 768 : index
    %swap3A_275 = arith.constant 0 : index
    %swap3A_276 = vector.load %arg13[%swap3A_274, %swap3A_275] : memref<1280x128xbf16, #tpu.memory_space<vmem>>, vector<256x128xbf16>
    tpu.vector_store %arg13[%swap3A_274, %swap3A_275], %convert_element_type3A_273 {strides = array<i32>} : memref<1280x128xbf16, #tpu.memory_space<vmem>>, vector<256x128xbf16>,
    %get3A_277 = arith.constant 1024 : index
    %get3A_278 = arith.constant 0 : index
    %get3A_279 = vector.load %arg14[%get3A_277, %get3A_278] : memref<1280x256xbf16, #tpu.memory_space<vmem>>, vector<256x256xbf16>
    %get3A_280 = arith.constant 1024 : index
    %get3A_281 = arith.constant 0 : index
    %get3A_282 = vector.load %arg12[%get3A_280, %get3A_281] : memref<1280x128xbf16, #tpu.memory_space<vmem>>, vector<256x128xbf16>
    %dot_general3A_283 = arith.constant dense<0.000000e+00> : vector<256x128xf32>
    %dot_general3A_284 = tpu.matmul %get3A_279, %get3A_282, %dot_general3A_283 {dimension_numbers = #tpu.dot_dimension_numbers<[1], [0], [0], [1], [0, 0, 1, 1], [], []>, transpose_lhs_hint = false} : vector<256x256xbf16>, vector<256x128xbf16>, vector<256x128xf32> -> vector<256x128xf32>
    %convert_element_type3A_285 = arith.truncf %dot_general3A_284 : vector<256x128xf32> to vector<256x128xbf16>
    %swap3A_286 = arith.constant 1024 : index
    %swap3A_287 = arith.constant 0 : index
    %swap3A_288 = vector.load %arg13[%swap3A_286, %swap3A_287] : memref<1280x128xbf16, #tpu.memory_space<vmem>>, vector<256x128xbf16>
    tpu.vector_store %arg13[%swap3A_286, %swap3A_287], %convert_element_type3A_285 {strides = array<i32>} : memref<1280x128xbf16, #tpu.memory_space<vmem>>, vector<256x128xbf16>,
    %get3A_289 = arith.constant 0 : index
    %get3A_290 = arith.constant 0 : index
    %get3A_291 = vector.load %arg13[%get3A_289, %get3A_290] : memref<1280x128xbf16, #tpu.memory_space<vmem>>, vector<1280x128xbf16>
    %get3A_292 = arith.constant 0 : index
    %get3A_293 = arith.constant 0 : index
    %get3A_294 = vector.load %arg8[%get3A_292, %get3A_293] : memref<128x128xbf16, #tpu.memory_space<vmem>>, vector<128x128xbf16>
    %dot_general3A_295 = arith.constant dense<0.000000e+00> : vector<1280x128xf32>
    %dot_general3A_296 = tpu.matmul %get3A_291, %get3A_294, %dot_general3A_295 {dimension_numbers = #tpu.dot_dimension_numbers<[1], [0], [0], [1], [0, 0, 1, 1], [], []>, transpose_lhs_hint = false} : vector<1280x128xbf16>, vector<128x128xbf16>, vector<1280x128xf32> -> vector<1280x128xf32>
    %max3A = arith.constant 0.000000e+00 : f32
    %max3A_297 = vector.broadcast %max3A : f32 to vector<1280x128xf32>
    %max3A_298 = arith.maximumf %dot_general3A_296, %max3A_297 : vector<1280x128xf32>
    %convert_element_type3A_299 = arith.truncf %max3A_298 : vector<1280x128xf32> to vector<1280x128xbf16>
    %swap3A_300 = arith.constant 0 : index
    %swap3A_301 = arith.constant 0 : index
    %swap3A_302 = vector.load %arg12[%swap3A_300, %swap3A_301] : memref<1280x128xbf16, #tpu.memory_space<vmem>>, vector<1280x128xbf16>
    tpu.vector_store %arg12[%swap3A_300, %swap3A_301], %convert_element_type3A_299 {strides = array<i32>} : memref<1280x128xbf16, #tpu.memory_space<vmem>>, vector<1280x128xbf16>,
    %get3A_303 = arith.constant 0 : index
    %get3A_304 = arith.constant 0 : index
    %get3A_305 = vector.load %arg14[%get3A_303, %get3A_304] : memref<1280x256xbf16, #tpu.memory_space<vmem>>, vector<256x256xbf16>
    %get3A_306 = arith.constant 0 : index
    %get3A_307 = arith.constant 0 : index
    %get3A_308 = vector.load %arg12[%get3A_306, %get3A_307] : memref<1280x128xbf16, #tpu.memory_space<vmem>>, vector<256x128xbf16>
    %dot_general3A_309 = arith.constant dense<0.000000e+00> : vector<256x128xf32>
    %dot_general3A_310 = tpu.matmul %get3A_305, %get3A_308, %dot_general3A_309 {dimension_numbers = #tpu.dot_dimension_numbers<[1], [0], [0], [1], [0, 0, 1, 1], [], []>, transpose_lhs_hint = false} : vector<256x256xbf16>, vector<256x128xbf16>, vector<256x128xf32> -> vector<256x128xf32>
    %convert_element_type3A_311 = arith.truncf %dot_general3A_310 : vector<256x128xf32> to vector<256x128xbf16>
    %swap3A_312 = arith.constant 0 : index
    %swap3A_313 = arith.constant 0 : index
    %swap3A_314 = vector.load %arg13[%swap3A_312, %swap3A_313] : memref<1280x128xbf16, #tpu.memory_space<vmem>>, vector<256x128xbf16>
    tpu.vector_store %arg13[%swap3A_312, %swap3A_313], %convert_element_type3A_311 {strides = array<i32>} : memref<1280x128xbf16, #tpu.memory_space<vmem>>, vector<256x128xbf16>,
    %get3A_315 = arith.constant 256 : index
    %get3A_316 = arith.constant 0 : index
    %get3A_317 = vector.load %arg14[%get3A_315, %get3A_316] : memref<1280x256xbf16, #tpu.memory_space<vmem>>, vector<256x256xbf16>
    %get3A_318 = arith.constant 256 : index
    %get3A_319 = arith.constant 0 : index
    %get3A_320 = vector.load %arg12[%get3A_318, %get3A_319] : memref<1280x128xbf16, #tpu.memory_space<vmem>>, vector<256x128xbf16>
    %dot_general3A_321 = arith.constant dense<0.000000e+00> : vector<256x128xf32>
    %dot_general3A_322 = tpu.matmul %get3A_317, %get3A_320, %dot_general3A_321 {dimension_numbers = #tpu.dot_dimension_numbers<[1], [0], [0], [1], [0, 0, 1, 1], [], []>, transpose_lhs_hint = false} : vector<256x256xbf16>, vector<256x128xbf16>, vector<256x128xf32> -> vector<256x128xf32>
    %convert_element_type3A_323 = arith.truncf %dot_general3A_322 : vector<256x128xf32> to vector<256x128xbf16>
    %swap3A_324 = arith.constant 256 : index
    %swap3A_325 = arith.constant 0 : index
    %swap3A_326 = vector.load %arg13[%swap3A_324, %swap3A_325] : memref<1280x128xbf16, #tpu.memory_space<vmem>>, vector<256x128xbf16>
    tpu.vector_store %arg13[%swap3A_324, %swap3A_325], %convert_element_type3A_323 {strides = array<i32>} : memref<1280x128xbf16, #tpu.memory_space<vmem>>, vector<256x128xbf16>,
    %get3A_327 = arith.constant 512 : index
    %get3A_328 = arith.constant 0 : index
    %get3A_329 = vector.load %arg14[%get3A_327, %get3A_328] : memref<1280x256xbf16, #tpu.memory_space<vmem>>, vector<256x256xbf16>
    %get3A_330 = arith.constant 512 : index
    %get3A_331 = arith.constant 0 : index
    %get3A_332 = vector.load %arg12[%get3A_330, %get3A_331] : memref<1280x128xbf16, #tpu.memory_space<vmem>>, vector<256x128xbf16>
    %dot_general3A_333 = arith.constant dense<0.000000e+00> : vector<256x128xf32>
    %dot_general3A_334 = tpu.matmul %get3A_329, %get3A_332, %dot_general3A_333 {dimension_numbers = #tpu.dot_dimension_numbers<[1], [0], [0], [1], [0, 0, 1, 1], [], []>, transpose_lhs_hint = false} : vector<256x256xbf16>, vector<256x128xbf16>, vector<256x128xf32> -> vector<256x128xf32>
    %convert_element_type3A_335 = arith.truncf %dot_general3A_334 : vector<256x128xf32> to vector<256x128xbf16>
    %swap3A_336 = arith.constant 512 : index
    %swap3A_337 = arith.constant 0 : index
    %swap3A_338 = vector.load %arg13[%swap3A_336, %swap3A_337] : memref<1280x128xbf16, #tpu.memory_space<vmem>>, vector<256x128xbf16>
    tpu.vector_store %arg13[%swap3A_336, %swap3A_337], %convert_element_type3A_335 {strides = array<i32>} : memref<1280x128xbf16, #tpu.memory_space<vmem>>, vector<256x128xbf16>,
    %get3A_339 = arith.constant 768 : index
    %get3A_340 = arith.constant 0 : index
    %get3A_341 = vector.load %arg14[%get3A_339, %get3A_340] : memref<1280x256xbf16, #tpu.memory_space<vmem>>, vector<256x256xbf16>
    %get3A_342 = arith.constant 768 : index
    %get3A_343 = arith.constant 0 : index
    %get3A_344 = vector.load %arg12[%get3A_342, %get3A_343] : memref<1280x128xbf16, #tpu.memory_space<vmem>>, vector<256x128xbf16>
    %dot_general3A_345 = arith.constant dense<0.000000e+00> : vector<256x128xf32>
    %dot_general3A_346 = tpu.matmul %get3A_341, %get3A_344, %dot_general3A_345 {dimension_numbers = #tpu.dot_dimension_numbers<[1], [0], [0], [1], [0, 0, 1, 1], [], []>, transpose_lhs_hint = false} : vector<256x256xbf16>, vector<256x128xbf16>, vector<256x128xf32> -> vector<256x128xf32>
    %convert_element_type3A_347 = arith.truncf %dot_general3A_346 : vector<256x128xf32> to vector<256x128xbf16>
    %swap3A_348 = arith.constant 768 : index
    %swap3A_349 = arith.constant 0 : index
    %swap3A_350 = vector.load %arg13[%swap3A_348, %swap3A_349] : memref<1280x128xbf16, #tpu.memory_space<vmem>>, vector<256x128xbf16>
    tpu.vector_store %arg13[%swap3A_348, %swap3A_349], %convert_element_type3A_347 {strides = array<i32>} : memref<1280x128xbf16, #tpu.memory_space<vmem>>, vector<256x128xbf16>,
    %get3A_351 = arith.constant 1024 : index
    %get3A_352 = arith.constant 0 : index
    %get3A_353 = vector.load %arg14[%get3A_351, %get3A_352] : memref<1280x256xbf16, #tpu.memory_space<vmem>>, vector<256x256xbf16>
    %get3A_354 = arith.constant 1024 : index
    %get3A_355 = arith.constant 0 : index
    %get3A_356 = vector.load %arg12[%get3A_354, %get3A_355] : memref<1280x128xbf16, #tpu.memory_space<vmem>>, vector<256x128xbf16>
    %dot_general3A_357 = arith.constant dense<0.000000e+00> : vector<256x128xf32>
    %dot_general3A_358 = tpu.matmul %get3A_353, %get3A_356, %dot_general3A_357 {dimension_numbers = #tpu.dot_dimension_numbers<[1], [0], [0], [1], [0, 0, 1, 1], [], []>, transpose_lhs_hint = false} : vector<256x256xbf16>, vector<256x128xbf16>, vector<256x128xf32> -> vector<256x128xf32>
    %convert_element_type3A_359 = arith.truncf %dot_general3A_358 : vector<256x128xf32> to vector<256x128xbf16>
    %swap3A_360 = arith.constant 1024 : index
    %swap3A_361 = arith.constant 0 : index
    %swap3A_362 = vector.load %arg13[%swap3A_360, %swap3A_361] : memref<1280x128xbf16, #tpu.memory_space<vmem>>, vector<256x128xbf16>
    tpu.vector_store %arg13[%swap3A_360, %swap3A_361], %convert_element_type3A_359 {strides = array<i32>} : memref<1280x128xbf16, #tpu.memory_space<vmem>>, vector<256x128xbf16>,
    %get3A_363 = arith.constant 0 : index
    %get3A_364 = arith.constant 0 : index
    %get3A_365 = vector.load %arg13[%get3A_363, %get3A_364] : memref<1280x128xbf16, #tpu.memory_space<vmem>>, vector<1280x128xbf16>
    %get3A_366 = arith.constant 0 : index
    %get3A_367 = arith.constant 0 : index
    %get3A_368 = vector.load %arg9[%get3A_366, %get3A_367] : memref<128x128xbf16, #tpu.memory_space<vmem>>, vector<128x128xbf16>
    %dot_general3A_369 = arith.constant dense<0.000000e+00> : vector<1280x128xf32>
    %dot_general3A_370 = tpu.matmul %get3A_365, %get3A_368, %dot_general3A_369 {dimension_numbers = #tpu.dot_dimension_numbers<[1], [0], [0], [1], [0, 0, 1, 1], [], []>, transpose_lhs_hint = false} : vector<1280x128xbf16>, vector<128x128xbf16>, vector<1280x128xf32> -> vector<1280x128xf32>
    %max3A_371 = arith.constant 0.000000e+00 : f32
    %max3A_372 = vector.broadcast %max3A_371 : f32 to vector<1280x128xf32>
    %max3A_373 = arith.maximumf %dot_general3A_370, %max3A_372 : vector<1280x128xf32>
    %convert_element_type3A_374 = arith.truncf %max3A_373 : vector<1280x128xf32> to vector<1280x128xbf16>
    %swap3A_375 = arith.constant 0 : index
    %swap3A_376 = arith.constant 0 : index
    %swap3A_377 = vector.load %arg12[%swap3A_375, %swap3A_376] : memref<1280x128xbf16, #tpu.memory_space<vmem>>, vector<1280x128xbf16>
    tpu.vector_store %arg12[%swap3A_375, %swap3A_376], %convert_element_type3A_374 {strides = array<i32>} : memref<1280x128xbf16, #tpu.memory_space<vmem>>, vector<1280x128xbf16>,
    %get3A_378 = arith.constant 0 : index
    %get3A_379 = arith.constant 0 : index
    %get3A_380 = vector.load %arg5[%get3A_378, %get3A_379] : memref<40x1280xbf16, #tpu.memory_space<vmem>>, vector<40x1280xbf16>
    %get3A_381 = arith.constant 0 : index
    %get3A_382 = arith.constant 0 : index
    %get3A_383 = vector.load %arg12[%get3A_381, %get3A_382] : memref<1280x128xbf16, #tpu.memory_space<vmem>>, vector<1280x128xbf16>
    %dot_general3A_384 = arith.constant dense<0.000000e+00> : vector<40x128xf32>
    %dot_general3A_385 = tpu.matmul %get3A_380, %get3A_383, %dot_general3A_384 {dimension_numbers = #tpu.dot_dimension_numbers<[1], [0], [0], [1], [0, 0, 1, 1], [], []>, transpose_lhs_hint = false} : vector<40x1280xbf16>, vector<1280x128xbf16>, vector<40x128xf32> -> vector<40x128xf32>
    %mul3A_386 = arith.constant 0.0312499981 : f32
    %mul3A_387 = vector.broadcast %mul3A_386 : f32 to vector<40x128xf32>
    %mul3A_388 = arith.mulf %dot_general3A_385, %mul3A_387 : vector<40x128xf32>
    %convert_element_type3A_389 = arith.truncf %mul3A_388 : vector<40x128xf32> to vector<40x128xbf16>
    %get3A_390 = arith.constant 0 : index
    %get3A_391 = arith.constant 0 : index
    %get3A_392 = vector.load %arg10[%get3A_390, %get3A_391] : memref<128x128xbf16, #tpu.memory_space<vmem>>, vector<128x128xbf16>
    %dot_general3A_393 = arith.constant dense<0.000000e+00> : vector<40x128xf32>
    %dot_general3A_394 = tpu.matmul %convert_element_type3A_389, %get3A_392, %dot_general3A_393 {dimension_numbers = #tpu.dot_dimension_numbers<[1], [0], [0], [1], [0, 0, 1, 1], [], []>, transpose_lhs_hint = false} : vector<40x128xbf16>, vector<128x128xbf16>, vector<40x128xf32> -> vector<40x128xf32>
    %swap3A_395 = arith.constant 0 : index
    %swap3A_396 = arith.constant 0 : index
    %swap3A_397 = vector.load %arg11[%swap3A_395, %swap3A_396] : memref<40x128xf32, #tpu.memory_space<vmem>>, vector<40x128xf32>
    tpu.vector_store %arg11[%swap3A_395, %swap3A_396], %dot_general3A_394 {strides = array<i32>} : memref<40x128xf32, #tpu.memory_space<vmem>>, vector<40x128xf32>,
    return
  }
  func.func @transform_0(%arg0: i32) -> (i32, i32) {
    %c0_i32 = arith.constant 0 : i32
    %c0_i32_0 = arith.constant 0 : i32
    return %arg0, %c0_i32 : i32, i32
  }
  func.func @transform_1(%arg0: i32) -> (i32, i32) {
    %c0_i32 = arith.constant 0 : i32
    %c0_i32_0 = arith.constant 0 : i32
    return %arg0, %c0_i32 : i32, i32
  }
  func.func @transform_2(%arg0: i32) -> (i32, i32, i32) {
    %c0_i32 = arith.constant 0 : i32
    %c0_i32_0 = arith.constant 0 : i32
    %c0_i32_1 = arith.constant 0 : i32
    return %arg0, %c0_i32, %c0_i32_0 : i32, i32, i32
  }
  func.func @transform_3(%arg0: i32) -> (i32, i32) {
    %c0_i32 = arith.constant 0 : i32
    %c0_i32_0 = arith.constant 0 : i32
    %c0_i32_1 = arith.constant 0 : i32
    return %c0_i32, %c0_i32_0 : i32, i32
  }
  func.func @transform_4(%arg0: i32) -> (i32, i32) {
    %c0_i32 = arith.constant 0 : i32
    %c0_i32_0 = arith.constant 0 : i32
    %c0_i32_1 = arith.constant 0 : i32
    return %c0_i32, %c0_i32_0 : i32, i32
  }
  func.func @transform_5(%arg0: i32) -> (i32, i32) {
    %c0_i32 = arith.constant 0 : i32
    %c0_i32_0 = arith.constant 0 : i32
    %c0_i32_1 = arith.constant 0 : i32
    return %c0_i32, %c0_i32_0 : i32, i32
  }
  func.func @transform_6(%arg0: i32) -> (i32, i32) {
    %c0_i32 = arith.constant 0 : i32
    %c0_i32_0 = arith.constant 0 : i32
    %c0_i32_1 = arith.constant 0 : i32
    return %c0_i32, %c0_i32_0 : i32, i32
  }
  func.func @transform_7(%arg0: i32) -> (i32, i32) {
    %c0_i32 = arith.constant 0 : i32
    %c0_i32_0 = arith.constant 0 : i32
    %c0_i32_1 = arith.constant 0 : i32
    return %c0_i32, %c0_i32_0 : i32, i32
  }
  func.func @transform_8(%arg0: i32) -> (i32, i32) {
    %c0_i32 = arith.constant 0 : i32
    %c0_i32_0 = arith.constant 0 : i32
    %c0_i32_1 = arith.constant 0 : i32
    return %c0_i32, %c0_i32_0 : i32, i32
  }
  func.func @transform_9(%arg0: i32) -> (i32, i32) {
    %c0_i32 = arith.constant 0 : i32
    %c0_i32_0 = arith.constant 0 : i32
    %c0_i32_1 = arith.constant 0 : i32
    return %c0_i32, %c0_i32_0 : i32, i32
  }
  func.func @transform_10(%arg0: i32) -> (i32, i32) {
    %c0_i32 = arith.constant 0 : i32
    %c0_i32_0 = arith.constant 0 : i32
    return %arg0, %c0_i32 : i32, i32
  }
}

module attributes {stable_mosaic.version = 14 : i64} {
  func.func @_gnn_body(%arg0: i32, %arg1: memref<2048x128xf32, #tpu.memory_space<vmem>>, %arg2: memref<64x32xi32, #tpu.memory_space<vmem>>, %arg3: memref<64x32x32xf32, #tpu.memory_space<vmem>>, %arg4: memref<256x256xbf16, #tpu.memory_space<vmem>>, %arg5: memref<64x2048xbf16, #tpu.memory_space<vmem>>, %arg6: memref<32x256xbf16, #tpu.memory_space<vmem>>, %arg7: memref<8x128xbf16, #tpu.memory_space<vmem>>, %arg8: memref<128x128xbf16, #tpu.memory_space<vmem>>, %arg9: memref<128x128xbf16, #tpu.memory_space<vmem>>, %arg10: memref<128x128xbf16, #tpu.memory_space<vmem>>, %arg11: memref<64x128xf32, #tpu.memory_space<vmem>>, %arg12: memref<2048x128xbf16, #tpu.memory_space<vmem>>, %arg13: memref<2048x128xbf16, #tpu.memory_space<vmem>>, %arg14: memref<2048x256xbf16, #tpu.memory_space<vmem>>) attributes {dimension_semantics = [#tpu.dimension_semantics<arbitrary>], iteration_bounds = array<i64: 16>, scalar_prefetch = 0 : i64, scratch_operands = 3 : i64, tpu.core_type = #tpu.core_type<tc>, window_params = [{transform_indices = @transform_0, window_bounds = array<i64: 2048, 128>}, {transform_indices = @transform_1, window_bounds = array<i64: 64, 32>}, {transform_indices = @transform_2, window_bounds = array<i64: 64, 32, 32>}, {pipeline_mode = #tpu.pipeline_mode<synchronous>, transform_indices = @transform_3, window_bounds = array<i64: 256, 256>}, {pipeline_mode = #tpu.pipeline_mode<synchronous>, transform_indices = @transform_4, window_bounds = array<i64: 64, 2048>}, {pipeline_mode = #tpu.pipeline_mode<synchronous>, transform_indices = @transform_5, window_bounds = array<i64: 32, 256>}, {pipeline_mode = #tpu.pipeline_mode<synchronous>, transform_indices = @transform_6, window_bounds = array<i64: 8, 128>}, {pipeline_mode = #tpu.pipeline_mode<synchronous>, transform_indices = @transform_7, window_bounds = array<i64: 128, 128>}, {pipeline_mode = #tpu.pipeline_mode<synchronous>, transform_indices = @transform_8, window_bounds = array<i64: 128, 128>}, {pipeline_mode = #tpu.pipeline_mode<synchronous>, transform_indices = @transform_9, window_bounds = array<i64: 128, 128>}, {transform_indices = @transform_10, window_bounds = array<i64: 64, 128>}]} {
    %get3A = arith.constant 0 : index
    %get3A_0 = arith.constant 0 : index
    %get3A_1 = vector.load %arg7[%get3A, %get3A_0] : memref<8x128xbf16, #tpu.memory_space<vmem>>, vector<8x128xbf16>
    %get3A_2 = arith.constant 0 : index
    %get3A_3 = arith.constant 0 : index
    %get3A_4 = vector.load %arg4[%get3A_2, %get3A_3] : memref<256x256xbf16, #tpu.memory_space<vmem>>, vector<256x256xbf16>
    %get3A_5 = arith.constant 0 : index
    %get3A_6 = arith.constant 0 : index
    %get3A_7 = vector.load %arg6[%get3A_5, %get3A_6] : memref<32x256xbf16, #tpu.memory_space<vmem>>, vector<32x256xbf16>
    %broadcast_in_dim3A = arith.constant 1.000000e+00 : bf16
    %broadcast_in_dim3A_8 = vector.broadcast %broadcast_in_dim3A : bf16 to vector<32x8xbf16>
    %get3A_9 = arith.constant 0 : index
    %get3A_10 = arith.constant 0 : index
    %get3A_11 = vector.load %arg2[%get3A_9, %get3A_10] : memref<64x32xi32, #tpu.memory_space<vmem>>, vector<8x32xi32>
    %broadcast_in_dim3A_12 = vector.shape_cast %get3A_11 : vector<8x32xi32> to vector<8x32x1xi32>
    %iota3A = tpu.iota {dimensions = array<i32: 2>} : vector<8x32x8xi32>
    %eq3A = vector.broadcast %broadcast_in_dim3A_12 : vector<8x32x1xi32> to vector<8x32x8xi32>
    %eq3A_13 = arith.cmpi eq, %eq3A, %iota3A : vector<8x32x8xi32>
    %convert_element_type3A = arith.extui %eq3A_13 : vector<8x32x8xi1> to vector<8x32x8xi32>
    %convert_element_type3A_14 = arith.sitofp %convert_element_type3A : vector<8x32x8xi32> to vector<8x32x8xf32>
    %convert_element_type3A_15 = arith.truncf %convert_element_type3A_14 : vector<8x32x8xf32> to vector<8x32x8xbf16>
    %reshape3A = vector.shape_cast %convert_element_type3A_15 : vector<8x32x8xbf16> to vector<256x8xbf16>
    %dot_general3A = arith.constant dense<0.000000e+00> : vector<256x128xf32>
    %dot_general3A_16 = tpu.matmul %reshape3A, %get3A_1, %dot_general3A {dimension_numbers = #tpu.dot_dimension_numbers<[1], [0], [0], [1], [0, 0, 1, 1], [], []>, transpose_lhs_hint = false} : vector<256x8xbf16>, vector<8x128xbf16>, vector<256x128xf32> -> vector<256x128xf32>
    %get3A_17 = arith.constant 0 : index
    %get3A_18 = arith.constant 0 : index
    %get3A_19 = vector.load %arg1[%get3A_17, %get3A_18] : memref<2048x128xf32, #tpu.memory_space<vmem>>, vector<256x128xf32>
    %add3A = arith.addf %get3A_19, %dot_general3A_16 : vector<256x128xf32>
    %convert_element_type3A_20 = arith.truncf %add3A : vector<256x128xf32> to vector<256x128xbf16>
    %swap3A = arith.constant 0 : index
    %swap3A_21 = arith.constant 0 : index
    %swap3A_22 = vector.load %arg12[%swap3A, %swap3A_21] : memref<2048x128xbf16, #tpu.memory_space<vmem>>, vector<256x128xbf16>
    tpu.vector_store %arg12[%swap3A, %swap3A_21], %convert_element_type3A_20 {strides = array<i32>} : memref<2048x128xbf16, #tpu.memory_space<vmem>>, vector<256x128xbf16>,
    %get3A_23 = arith.constant 0 : index
    %get3A_24 = arith.constant 0 : index
    %get3A_25 = arith.constant 0 : index
    %get3A_26 = vector.load %arg3[%get3A_23, %get3A_24, %get3A_25] : memref<64x32x32xf32, #tpu.memory_space<vmem>>, vector<8x32x32xf32>
    %reshape3A_27 = vector.shape_cast %get3A_26 : vector<8x32x32xf32> to vector<256x32xf32>
    %convert_element_type3A_28 = arith.truncf %reshape3A_27 : vector<256x32xf32> to vector<256x32xbf16>
    %dot_general3A_29 = arith.constant dense<0.000000e+00> : vector<256x8xf32>
    %dot_general3A_30 = tpu.matmul %convert_element_type3A_28, %broadcast_in_dim3A_8, %dot_general3A_29 {dimension_numbers = #tpu.dot_dimension_numbers<[1], [0], [0], [1], [0, 0, 1, 1], [], []>, transpose_lhs_hint = false} : vector<256x32xbf16>, vector<32x8xbf16>, vector<256x8xf32> -> vector<256x8xf32>
    %slice3A = vector.extract_strided_slice %dot_general3A_30 {offsets = [0, 0], sizes = [256, 1], strides = [1, 1]} : vector<256x8xf32> to vector<256x1xf32>
    %add3A_31 = arith.constant 9.99999997E-7 : f32
    %add3A_32 = vector.broadcast %add3A_31 : f32 to vector<256x1xf32>
    %add3A_33 = arith.addf %slice3A, %add3A_32 : vector<256x1xf32>
    %div3A = arith.constant 1.000000e+00 : f32
    %div3A_34 = vector.broadcast %div3A : f32 to vector<256x1xf32>
    %div3A_35 = arith.divf %div3A_34, %add3A_33 : vector<256x1xf32>
    %convert_element_type3A_36 = arith.truncf %div3A_35 : vector<256x1xf32> to vector<256x1xbf16>
    %mul3A = vector.broadcast %convert_element_type3A_36 : vector<256x1xbf16> to vector<256x32xbf16>
    %mul3A_37 = arith.mulf %convert_element_type3A_28, %mul3A : vector<256x32xbf16>
    %dot_general3A_38 = arith.constant dense<0.000000e+00> : vector<256x256xf32>
    %dot_general3A_39 = tpu.matmul %mul3A_37, %get3A_7, %dot_general3A_38 {dimension_numbers = #tpu.dot_dimension_numbers<[1], [0], [0], [1], [0, 0, 1, 1], [], []>, transpose_lhs_hint = false} : vector<256x32xbf16>, vector<32x256xbf16>, vector<256x256xf32> -> vector<256x256xf32>
    %convert_element_type3A_40 = arith.truncf %dot_general3A_39 : vector<256x256xf32> to vector<256x256xbf16>
    %mul3A_41 = arith.mulf %convert_element_type3A_40, %get3A_4 : vector<256x256xbf16>
    %swap3A_42 = arith.constant 0 : index
    %swap3A_43 = arith.constant 0 : index
    %swap3A_44 = vector.load %arg14[%swap3A_42, %swap3A_43] : memref<2048x256xbf16, #tpu.memory_space<vmem>>, vector<256x256xbf16>
    tpu.vector_store %arg14[%swap3A_42, %swap3A_43], %mul3A_41 {strides = array<i32>} : memref<2048x256xbf16, #tpu.memory_space<vmem>>, vector<256x256xbf16>,
    %get3A_45 = arith.constant 8 : index
    %get3A_46 = arith.constant 0 : index
    %get3A_47 = vector.load %arg2[%get3A_45, %get3A_46] : memref<64x32xi32, #tpu.memory_space<vmem>>, vector<8x32xi32>
    %broadcast_in_dim3A_48 = vector.shape_cast %get3A_47 : vector<8x32xi32> to vector<8x32x1xi32>
    %iota3A_49 = tpu.iota {dimensions = array<i32: 2>} : vector<8x32x8xi32>
    %eq3A_50 = vector.broadcast %broadcast_in_dim3A_48 : vector<8x32x1xi32> to vector<8x32x8xi32>
    %eq3A_51 = arith.cmpi eq, %eq3A_50, %iota3A_49 : vector<8x32x8xi32>
    %convert_element_type3A_52 = arith.extui %eq3A_51 : vector<8x32x8xi1> to vector<8x32x8xi32>
    %convert_element_type3A_53 = arith.sitofp %convert_element_type3A_52 : vector<8x32x8xi32> to vector<8x32x8xf32>
    %convert_element_type3A_54 = arith.truncf %convert_element_type3A_53 : vector<8x32x8xf32> to vector<8x32x8xbf16>
    %reshape3A_55 = vector.shape_cast %convert_element_type3A_54 : vector<8x32x8xbf16> to vector<256x8xbf16>
    %dot_general3A_56 = arith.constant dense<0.000000e+00> : vector<256x128xf32>
    %dot_general3A_57 = tpu.matmul %reshape3A_55, %get3A_1, %dot_general3A_56 {dimension_numbers = #tpu.dot_dimension_numbers<[1], [0], [0], [1], [0, 0, 1, 1], [], []>, transpose_lhs_hint = false} : vector<256x8xbf16>, vector<8x128xbf16>, vector<256x128xf32> -> vector<256x128xf32>
    %get3A_58 = arith.constant 256 : index
    %get3A_59 = arith.constant 0 : index
    %get3A_60 = vector.load %arg1[%get3A_58, %get3A_59] : memref<2048x128xf32, #tpu.memory_space<vmem>>, vector<256x128xf32>
    %add3A_61 = arith.addf %get3A_60, %dot_general3A_57 : vector<256x128xf32>
    %convert_element_type3A_62 = arith.truncf %add3A_61 : vector<256x128xf32> to vector<256x128xbf16>
    %swap3A_63 = arith.constant 256 : index
    %swap3A_64 = arith.constant 0 : index
    %swap3A_65 = vector.load %arg12[%swap3A_63, %swap3A_64] : memref<2048x128xbf16, #tpu.memory_space<vmem>>, vector<256x128xbf16>
    tpu.vector_store %arg12[%swap3A_63, %swap3A_64], %convert_element_type3A_62 {strides = array<i32>} : memref<2048x128xbf16, #tpu.memory_space<vmem>>, vector<256x128xbf16>,
    %get3A_66 = arith.constant 8 : index
    %get3A_67 = arith.constant 0 : index
    %get3A_68 = arith.constant 0 : index
    %get3A_69 = vector.load %arg3[%get3A_66, %get3A_67, %get3A_68] : memref<64x32x32xf32, #tpu.memory_space<vmem>>, vector<8x32x32xf32>
    %reshape3A_70 = vector.shape_cast %get3A_69 : vector<8x32x32xf32> to vector<256x32xf32>
    %convert_element_type3A_71 = arith.truncf %reshape3A_70 : vector<256x32xf32> to vector<256x32xbf16>
    %dot_general3A_72 = arith.constant dense<0.000000e+00> : vector<256x8xf32>
    %dot_general3A_73 = tpu.matmul %convert_element_type3A_71, %broadcast_in_dim3A_8, %dot_general3A_72 {dimension_numbers = #tpu.dot_dimension_numbers<[1], [0], [0], [1], [0, 0, 1, 1], [], []>, transpose_lhs_hint = false} : vector<256x32xbf16>, vector<32x8xbf16>, vector<256x8xf32> -> vector<256x8xf32>
    %slice3A_74 = vector.extract_strided_slice %dot_general3A_73 {offsets = [0, 0], sizes = [256, 1], strides = [1, 1]} : vector<256x8xf32> to vector<256x1xf32>
    %add3A_75 = arith.constant 9.99999997E-7 : f32
    %add3A_76 = vector.broadcast %add3A_75 : f32 to vector<256x1xf32>
    %add3A_77 = arith.addf %slice3A_74, %add3A_76 : vector<256x1xf32>
    %div3A_78 = arith.constant 1.000000e+00 : f32
    %div3A_79 = vector.broadcast %div3A_78 : f32 to vector<256x1xf32>
    %div3A_80 = arith.divf %div3A_79, %add3A_77 : vector<256x1xf32>
    %convert_element_type3A_81 = arith.truncf %div3A_80 : vector<256x1xf32> to vector<256x1xbf16>
    %mul3A_82 = vector.broadcast %convert_element_type3A_81 : vector<256x1xbf16> to vector<256x32xbf16>
    %mul3A_83 = arith.mulf %convert_element_type3A_71, %mul3A_82 : vector<256x32xbf16>
    %dot_general3A_84 = arith.constant dense<0.000000e+00> : vector<256x256xf32>
    %dot_general3A_85 = tpu.matmul %mul3A_83, %get3A_7, %dot_general3A_84 {dimension_numbers = #tpu.dot_dimension_numbers<[1], [0], [0], [1], [0, 0, 1, 1], [], []>, transpose_lhs_hint = false} : vector<256x32xbf16>, vector<32x256xbf16>, vector<256x256xf32> -> vector<256x256xf32>
    %convert_element_type3A_86 = arith.truncf %dot_general3A_85 : vector<256x256xf32> to vector<256x256xbf16>
    %mul3A_87 = arith.mulf %convert_element_type3A_86, %get3A_4 : vector<256x256xbf16>
    %swap3A_88 = arith.constant 256 : index
    %swap3A_89 = arith.constant 0 : index
    %swap3A_90 = vector.load %arg14[%swap3A_88, %swap3A_89] : memref<2048x256xbf16, #tpu.memory_space<vmem>>, vector<256x256xbf16>
    tpu.vector_store %arg14[%swap3A_88, %swap3A_89], %mul3A_87 {strides = array<i32>} : memref<2048x256xbf16, #tpu.memory_space<vmem>>, vector<256x256xbf16>,
    %get3A_91 = arith.constant 16 : index
    %get3A_92 = arith.constant 0 : index
    %get3A_93 = vector.load %arg2[%get3A_91, %get3A_92] : memref<64x32xi32, #tpu.memory_space<vmem>>, vector<8x32xi32>
    %broadcast_in_dim3A_94 = vector.shape_cast %get3A_93 : vector<8x32xi32> to vector<8x32x1xi32>
    %iota3A_95 = tpu.iota {dimensions = array<i32: 2>} : vector<8x32x8xi32>
    %eq3A_96 = vector.broadcast %broadcast_in_dim3A_94 : vector<8x32x1xi32> to vector<8x32x8xi32>
    %eq3A_97 = arith.cmpi eq, %eq3A_96, %iota3A_95 : vector<8x32x8xi32>
    %convert_element_type3A_98 = arith.extui %eq3A_97 : vector<8x32x8xi1> to vector<8x32x8xi32>
    %convert_element_type3A_99 = arith.sitofp %convert_element_type3A_98 : vector<8x32x8xi32> to vector<8x32x8xf32>
    %convert_element_type3A_100 = arith.truncf %convert_element_type3A_99 : vector<8x32x8xf32> to vector<8x32x8xbf16>
    %reshape3A_101 = vector.shape_cast %convert_element_type3A_100 : vector<8x32x8xbf16> to vector<256x8xbf16>
    %dot_general3A_102 = arith.constant dense<0.000000e+00> : vector<256x128xf32>
    %dot_general3A_103 = tpu.matmul %reshape3A_101, %get3A_1, %dot_general3A_102 {dimension_numbers = #tpu.dot_dimension_numbers<[1], [0], [0], [1], [0, 0, 1, 1], [], []>, transpose_lhs_hint = false} : vector<256x8xbf16>, vector<8x128xbf16>, vector<256x128xf32> -> vector<256x128xf32>
    %get3A_104 = arith.constant 512 : index
    %get3A_105 = arith.constant 0 : index
    %get3A_106 = vector.load %arg1[%get3A_104, %get3A_105] : memref<2048x128xf32, #tpu.memory_space<vmem>>, vector<256x128xf32>
    %add3A_107 = arith.addf %get3A_106, %dot_general3A_103 : vector<256x128xf32>
    %convert_element_type3A_108 = arith.truncf %add3A_107 : vector<256x128xf32> to vector<256x128xbf16>
    %swap3A_109 = arith.constant 512 : index
    %swap3A_110 = arith.constant 0 : index
    %swap3A_111 = vector.load %arg12[%swap3A_109, %swap3A_110] : memref<2048x128xbf16, #tpu.memory_space<vmem>>, vector<256x128xbf16>
    tpu.vector_store %arg12[%swap3A_109, %swap3A_110], %convert_element_type3A_108 {strides = array<i32>} : memref<2048x128xbf16, #tpu.memory_space<vmem>>, vector<256x128xbf16>,
    %get3A_112 = arith.constant 16 : index
    %get3A_113 = arith.constant 0 : index
    %get3A_114 = arith.constant 0 : index
    %get3A_115 = vector.load %arg3[%get3A_112, %get3A_113, %get3A_114] : memref<64x32x32xf32, #tpu.memory_space<vmem>>, vector<8x32x32xf32>
    %reshape3A_116 = vector.shape_cast %get3A_115 : vector<8x32x32xf32> to vector<256x32xf32>
    %convert_element_type3A_117 = arith.truncf %reshape3A_116 : vector<256x32xf32> to vector<256x32xbf16>
    %dot_general3A_118 = arith.constant dense<0.000000e+00> : vector<256x8xf32>
    %dot_general3A_119 = tpu.matmul %convert_element_type3A_117, %broadcast_in_dim3A_8, %dot_general3A_118 {dimension_numbers = #tpu.dot_dimension_numbers<[1], [0], [0], [1], [0, 0, 1, 1], [], []>, transpose_lhs_hint = false} : vector<256x32xbf16>, vector<32x8xbf16>, vector<256x8xf32> -> vector<256x8xf32>
    %slice3A_120 = vector.extract_strided_slice %dot_general3A_119 {offsets = [0, 0], sizes = [256, 1], strides = [1, 1]} : vector<256x8xf32> to vector<256x1xf32>
    %add3A_121 = arith.constant 9.99999997E-7 : f32
    %add3A_122 = vector.broadcast %add3A_121 : f32 to vector<256x1xf32>
    %add3A_123 = arith.addf %slice3A_120, %add3A_122 : vector<256x1xf32>
    %div3A_124 = arith.constant 1.000000e+00 : f32
    %div3A_125 = vector.broadcast %div3A_124 : f32 to vector<256x1xf32>
    %div3A_126 = arith.divf %div3A_125, %add3A_123 : vector<256x1xf32>
    %convert_element_type3A_127 = arith.truncf %div3A_126 : vector<256x1xf32> to vector<256x1xbf16>
    %mul3A_128 = vector.broadcast %convert_element_type3A_127 : vector<256x1xbf16> to vector<256x32xbf16>
    %mul3A_129 = arith.mulf %convert_element_type3A_117, %mul3A_128 : vector<256x32xbf16>
    %dot_general3A_130 = arith.constant dense<0.000000e+00> : vector<256x256xf32>
    %dot_general3A_131 = tpu.matmul %mul3A_129, %get3A_7, %dot_general3A_130 {dimension_numbers = #tpu.dot_dimension_numbers<[1], [0], [0], [1], [0, 0, 1, 1], [], []>, transpose_lhs_hint = false} : vector<256x32xbf16>, vector<32x256xbf16>, vector<256x256xf32> -> vector<256x256xf32>
    %convert_element_type3A_132 = arith.truncf %dot_general3A_131 : vector<256x256xf32> to vector<256x256xbf16>
    %mul3A_133 = arith.mulf %convert_element_type3A_132, %get3A_4 : vector<256x256xbf16>
    %swap3A_134 = arith.constant 512 : index
    %swap3A_135 = arith.constant 0 : index
    %swap3A_136 = vector.load %arg14[%swap3A_134, %swap3A_135] : memref<2048x256xbf16, #tpu.memory_space<vmem>>, vector<256x256xbf16>
    tpu.vector_store %arg14[%swap3A_134, %swap3A_135], %mul3A_133 {strides = array<i32>} : memref<2048x256xbf16, #tpu.memory_space<vmem>>, vector<256x256xbf16>,
    %get3A_137 = arith.constant 24 : index
    %get3A_138 = arith.constant 0 : index
    %get3A_139 = vector.load %arg2[%get3A_137, %get3A_138] : memref<64x32xi32, #tpu.memory_space<vmem>>, vector<8x32xi32>
    %broadcast_in_dim3A_140 = vector.shape_cast %get3A_139 : vector<8x32xi32> to vector<8x32x1xi32>
    %iota3A_141 = tpu.iota {dimensions = array<i32: 2>} : vector<8x32x8xi32>
    %eq3A_142 = vector.broadcast %broadcast_in_dim3A_140 : vector<8x32x1xi32> to vector<8x32x8xi32>
    %eq3A_143 = arith.cmpi eq, %eq3A_142, %iota3A_141 : vector<8x32x8xi32>
    %convert_element_type3A_144 = arith.extui %eq3A_143 : vector<8x32x8xi1> to vector<8x32x8xi32>
    %convert_element_type3A_145 = arith.sitofp %convert_element_type3A_144 : vector<8x32x8xi32> to vector<8x32x8xf32>
    %convert_element_type3A_146 = arith.truncf %convert_element_type3A_145 : vector<8x32x8xf32> to vector<8x32x8xbf16>
    %reshape3A_147 = vector.shape_cast %convert_element_type3A_146 : vector<8x32x8xbf16> to vector<256x8xbf16>
    %dot_general3A_148 = arith.constant dense<0.000000e+00> : vector<256x128xf32>
    %dot_general3A_149 = tpu.matmul %reshape3A_147, %get3A_1, %dot_general3A_148 {dimension_numbers = #tpu.dot_dimension_numbers<[1], [0], [0], [1], [0, 0, 1, 1], [], []>, transpose_lhs_hint = false} : vector<256x8xbf16>, vector<8x128xbf16>, vector<256x128xf32> -> vector<256x128xf32>
    %get3A_150 = arith.constant 768 : index
    %get3A_151 = arith.constant 0 : index
    %get3A_152 = vector.load %arg1[%get3A_150, %get3A_151] : memref<2048x128xf32, #tpu.memory_space<vmem>>, vector<256x128xf32>
    %add3A_153 = arith.addf %get3A_152, %dot_general3A_149 : vector<256x128xf32>
    %convert_element_type3A_154 = arith.truncf %add3A_153 : vector<256x128xf32> to vector<256x128xbf16>
    %swap3A_155 = arith.constant 768 : index
    %swap3A_156 = arith.constant 0 : index
    %swap3A_157 = vector.load %arg12[%swap3A_155, %swap3A_156] : memref<2048x128xbf16, #tpu.memory_space<vmem>>, vector<256x128xbf16>
    tpu.vector_store %arg12[%swap3A_155, %swap3A_156], %convert_element_type3A_154 {strides = array<i32>} : memref<2048x128xbf16, #tpu.memory_space<vmem>>, vector<256x128xbf16>,
    %get3A_158 = arith.constant 24 : index
    %get3A_159 = arith.constant 0 : index
    %get3A_160 = arith.constant 0 : index
    %get3A_161 = vector.load %arg3[%get3A_158, %get3A_159, %get3A_160] : memref<64x32x32xf32, #tpu.memory_space<vmem>>, vector<8x32x32xf32>
    %reshape3A_162 = vector.shape_cast %get3A_161 : vector<8x32x32xf32> to vector<256x32xf32>
    %convert_element_type3A_163 = arith.truncf %reshape3A_162 : vector<256x32xf32> to vector<256x32xbf16>
    %dot_general3A_164 = arith.constant dense<0.000000e+00> : vector<256x8xf32>
    %dot_general3A_165 = tpu.matmul %convert_element_type3A_163, %broadcast_in_dim3A_8, %dot_general3A_164 {dimension_numbers = #tpu.dot_dimension_numbers<[1], [0], [0], [1], [0, 0, 1, 1], [], []>, transpose_lhs_hint = false} : vector<256x32xbf16>, vector<32x8xbf16>, vector<256x8xf32> -> vector<256x8xf32>
    %slice3A_166 = vector.extract_strided_slice %dot_general3A_165 {offsets = [0, 0], sizes = [256, 1], strides = [1, 1]} : vector<256x8xf32> to vector<256x1xf32>
    %add3A_167 = arith.constant 9.99999997E-7 : f32
    %add3A_168 = vector.broadcast %add3A_167 : f32 to vector<256x1xf32>
    %add3A_169 = arith.addf %slice3A_166, %add3A_168 : vector<256x1xf32>
    %div3A_170 = arith.constant 1.000000e+00 : f32
    %div3A_171 = vector.broadcast %div3A_170 : f32 to vector<256x1xf32>
    %div3A_172 = arith.divf %div3A_171, %add3A_169 : vector<256x1xf32>
    %convert_element_type3A_173 = arith.truncf %div3A_172 : vector<256x1xf32> to vector<256x1xbf16>
    %mul3A_174 = vector.broadcast %convert_element_type3A_173 : vector<256x1xbf16> to vector<256x32xbf16>
    %mul3A_175 = arith.mulf %convert_element_type3A_163, %mul3A_174 : vector<256x32xbf16>
    %dot_general3A_176 = arith.constant dense<0.000000e+00> : vector<256x256xf32>
    %dot_general3A_177 = tpu.matmul %mul3A_175, %get3A_7, %dot_general3A_176 {dimension_numbers = #tpu.dot_dimension_numbers<[1], [0], [0], [1], [0, 0, 1, 1], [], []>, transpose_lhs_hint = false} : vector<256x32xbf16>, vector<32x256xbf16>, vector<256x256xf32> -> vector<256x256xf32>
    %convert_element_type3A_178 = arith.truncf %dot_general3A_177 : vector<256x256xf32> to vector<256x256xbf16>
    %mul3A_179 = arith.mulf %convert_element_type3A_178, %get3A_4 : vector<256x256xbf16>
    %swap3A_180 = arith.constant 768 : index
    %swap3A_181 = arith.constant 0 : index
    %swap3A_182 = vector.load %arg14[%swap3A_180, %swap3A_181] : memref<2048x256xbf16, #tpu.memory_space<vmem>>, vector<256x256xbf16>
    tpu.vector_store %arg14[%swap3A_180, %swap3A_181], %mul3A_179 {strides = array<i32>} : memref<2048x256xbf16, #tpu.memory_space<vmem>>, vector<256x256xbf16>,
    %get3A_183 = arith.constant 32 : index
    %get3A_184 = arith.constant 0 : index
    %get3A_185 = vector.load %arg2[%get3A_183, %get3A_184] : memref<64x32xi32, #tpu.memory_space<vmem>>, vector<8x32xi32>
    %broadcast_in_dim3A_186 = vector.shape_cast %get3A_185 : vector<8x32xi32> to vector<8x32x1xi32>
    %iota3A_187 = tpu.iota {dimensions = array<i32: 2>} : vector<8x32x8xi32>
    %eq3A_188 = vector.broadcast %broadcast_in_dim3A_186 : vector<8x32x1xi32> to vector<8x32x8xi32>
    %eq3A_189 = arith.cmpi eq, %eq3A_188, %iota3A_187 : vector<8x32x8xi32>
    %convert_element_type3A_190 = arith.extui %eq3A_189 : vector<8x32x8xi1> to vector<8x32x8xi32>
    %convert_element_type3A_191 = arith.sitofp %convert_element_type3A_190 : vector<8x32x8xi32> to vector<8x32x8xf32>
    %convert_element_type3A_192 = arith.truncf %convert_element_type3A_191 : vector<8x32x8xf32> to vector<8x32x8xbf16>
    %reshape3A_193 = vector.shape_cast %convert_element_type3A_192 : vector<8x32x8xbf16> to vector<256x8xbf16>
    %dot_general3A_194 = arith.constant dense<0.000000e+00> : vector<256x128xf32>
    %dot_general3A_195 = tpu.matmul %reshape3A_193, %get3A_1, %dot_general3A_194 {dimension_numbers = #tpu.dot_dimension_numbers<[1], [0], [0], [1], [0, 0, 1, 1], [], []>, transpose_lhs_hint = false} : vector<256x8xbf16>, vector<8x128xbf16>, vector<256x128xf32> -> vector<256x128xf32>
    %get3A_196 = arith.constant 1024 : index
    %get3A_197 = arith.constant 0 : index
    %get3A_198 = vector.load %arg1[%get3A_196, %get3A_197] : memref<2048x128xf32, #tpu.memory_space<vmem>>, vector<256x128xf32>
    %add3A_199 = arith.addf %get3A_198, %dot_general3A_195 : vector<256x128xf32>
    %convert_element_type3A_200 = arith.truncf %add3A_199 : vector<256x128xf32> to vector<256x128xbf16>
    %swap3A_201 = arith.constant 1024 : index
    %swap3A_202 = arith.constant 0 : index
    %swap3A_203 = vector.load %arg12[%swap3A_201, %swap3A_202] : memref<2048x128xbf16, #tpu.memory_space<vmem>>, vector<256x128xbf16>
    tpu.vector_store %arg12[%swap3A_201, %swap3A_202], %convert_element_type3A_200 {strides = array<i32>} : memref<2048x128xbf16, #tpu.memory_space<vmem>>, vector<256x128xbf16>,
    %get3A_204 = arith.constant 32 : index
    %get3A_205 = arith.constant 0 : index
    %get3A_206 = arith.constant 0 : index
    %get3A_207 = vector.load %arg3[%get3A_204, %get3A_205, %get3A_206] : memref<64x32x32xf32, #tpu.memory_space<vmem>>, vector<8x32x32xf32>
    %reshape3A_208 = vector.shape_cast %get3A_207 : vector<8x32x32xf32> to vector<256x32xf32>
    %convert_element_type3A_209 = arith.truncf %reshape3A_208 : vector<256x32xf32> to vector<256x32xbf16>
    %dot_general3A_210 = arith.constant dense<0.000000e+00> : vector<256x8xf32>
    %dot_general3A_211 = tpu.matmul %convert_element_type3A_209, %broadcast_in_dim3A_8, %dot_general3A_210 {dimension_numbers = #tpu.dot_dimension_numbers<[1], [0], [0], [1], [0, 0, 1, 1], [], []>, transpose_lhs_hint = false} : vector<256x32xbf16>, vector<32x8xbf16>, vector<256x8xf32> -> vector<256x8xf32>
    %slice3A_212 = vector.extract_strided_slice %dot_general3A_211 {offsets = [0, 0], sizes = [256, 1], strides = [1, 1]} : vector<256x8xf32> to vector<256x1xf32>
    %add3A_213 = arith.constant 9.99999997E-7 : f32
    %add3A_214 = vector.broadcast %add3A_213 : f32 to vector<256x1xf32>
    %add3A_215 = arith.addf %slice3A_212, %add3A_214 : vector<256x1xf32>
    %div3A_216 = arith.constant 1.000000e+00 : f32
    %div3A_217 = vector.broadcast %div3A_216 : f32 to vector<256x1xf32>
    %div3A_218 = arith.divf %div3A_217, %add3A_215 : vector<256x1xf32>
    %convert_element_type3A_219 = arith.truncf %div3A_218 : vector<256x1xf32> to vector<256x1xbf16>
    %mul3A_220 = vector.broadcast %convert_element_type3A_219 : vector<256x1xbf16> to vector<256x32xbf16>
    %mul3A_221 = arith.mulf %convert_element_type3A_209, %mul3A_220 : vector<256x32xbf16>
    %dot_general3A_222 = arith.constant dense<0.000000e+00> : vector<256x256xf32>
    %dot_general3A_223 = tpu.matmul %mul3A_221, %get3A_7, %dot_general3A_222 {dimension_numbers = #tpu.dot_dimension_numbers<[1], [0], [0], [1], [0, 0, 1, 1], [], []>, transpose_lhs_hint = false} : vector<256x32xbf16>, vector<32x256xbf16>, vector<256x256xf32> -> vector<256x256xf32>
    %convert_element_type3A_224 = arith.truncf %dot_general3A_223 : vector<256x256xf32> to vector<256x256xbf16>
    %mul3A_225 = arith.mulf %convert_element_type3A_224, %get3A_4 : vector<256x256xbf16>
    %swap3A_226 = arith.constant 1024 : index
    %swap3A_227 = arith.constant 0 : index
    %swap3A_228 = vector.load %arg14[%swap3A_226, %swap3A_227] : memref<2048x256xbf16, #tpu.memory_space<vmem>>, vector<256x256xbf16>
    tpu.vector_store %arg14[%swap3A_226, %swap3A_227], %mul3A_225 {strides = array<i32>} : memref<2048x256xbf16, #tpu.memory_space<vmem>>, vector<256x256xbf16>,
    %get3A_229 = arith.constant 40 : index
    %get3A_230 = arith.constant 0 : index
    %get3A_231 = vector.load %arg2[%get3A_229, %get3A_230] : memref<64x32xi32, #tpu.memory_space<vmem>>, vector<8x32xi32>
    %broadcast_in_dim3A_232 = vector.shape_cast %get3A_231 : vector<8x32xi32> to vector<8x32x1xi32>
    %iota3A_233 = tpu.iota {dimensions = array<i32: 2>} : vector<8x32x8xi32>
    %eq3A_234 = vector.broadcast %broadcast_in_dim3A_232 : vector<8x32x1xi32> to vector<8x32x8xi32>
    %eq3A_235 = arith.cmpi eq, %eq3A_234, %iota3A_233 : vector<8x32x8xi32>
    %convert_element_type3A_236 = arith.extui %eq3A_235 : vector<8x32x8xi1> to vector<8x32x8xi32>
    %convert_element_type3A_237 = arith.sitofp %convert_element_type3A_236 : vector<8x32x8xi32> to vector<8x32x8xf32>
    %convert_element_type3A_238 = arith.truncf %convert_element_type3A_237 : vector<8x32x8xf32> to vector<8x32x8xbf16>
    %reshape3A_239 = vector.shape_cast %convert_element_type3A_238 : vector<8x32x8xbf16> to vector<256x8xbf16>
    %dot_general3A_240 = arith.constant dense<0.000000e+00> : vector<256x128xf32>
    %dot_general3A_241 = tpu.matmul %reshape3A_239, %get3A_1, %dot_general3A_240 {dimension_numbers = #tpu.dot_dimension_numbers<[1], [0], [0], [1], [0, 0, 1, 1], [], []>, transpose_lhs_hint = false} : vector<256x8xbf16>, vector<8x128xbf16>, vector<256x128xf32> -> vector<256x128xf32>
    %get3A_242 = arith.constant 1280 : index
    %get3A_243 = arith.constant 0 : index
    %get3A_244 = vector.load %arg1[%get3A_242, %get3A_243] : memref<2048x128xf32, #tpu.memory_space<vmem>>, vector<256x128xf32>
    %add3A_245 = arith.addf %get3A_244, %dot_general3A_241 : vector<256x128xf32>
    %convert_element_type3A_246 = arith.truncf %add3A_245 : vector<256x128xf32> to vector<256x128xbf16>
    %swap3A_247 = arith.constant 1280 : index
    %swap3A_248 = arith.constant 0 : index
    %swap3A_249 = vector.load %arg12[%swap3A_247, %swap3A_248] : memref<2048x128xbf16, #tpu.memory_space<vmem>>, vector<256x128xbf16>
    tpu.vector_store %arg12[%swap3A_247, %swap3A_248], %convert_element_type3A_246 {strides = array<i32>} : memref<2048x128xbf16, #tpu.memory_space<vmem>>, vector<256x128xbf16>,
    %get3A_250 = arith.constant 40 : index
    %get3A_251 = arith.constant 0 : index
    %get3A_252 = arith.constant 0 : index
    %get3A_253 = vector.load %arg3[%get3A_250, %get3A_251, %get3A_252] : memref<64x32x32xf32, #tpu.memory_space<vmem>>, vector<8x32x32xf32>
    %reshape3A_254 = vector.shape_cast %get3A_253 : vector<8x32x32xf32> to vector<256x32xf32>
    %convert_element_type3A_255 = arith.truncf %reshape3A_254 : vector<256x32xf32> to vector<256x32xbf16>
    %dot_general3A_256 = arith.constant dense<0.000000e+00> : vector<256x8xf32>
    %dot_general3A_257 = tpu.matmul %convert_element_type3A_255, %broadcast_in_dim3A_8, %dot_general3A_256 {dimension_numbers = #tpu.dot_dimension_numbers<[1], [0], [0], [1], [0, 0, 1, 1], [], []>, transpose_lhs_hint = false} : vector<256x32xbf16>, vector<32x8xbf16>, vector<256x8xf32> -> vector<256x8xf32>
    %slice3A_258 = vector.extract_strided_slice %dot_general3A_257 {offsets = [0, 0], sizes = [256, 1], strides = [1, 1]} : vector<256x8xf32> to vector<256x1xf32>
    %add3A_259 = arith.constant 9.99999997E-7 : f32
    %add3A_260 = vector.broadcast %add3A_259 : f32 to vector<256x1xf32>
    %add3A_261 = arith.addf %slice3A_258, %add3A_260 : vector<256x1xf32>
    %div3A_262 = arith.constant 1.000000e+00 : f32
    %div3A_263 = vector.broadcast %div3A_262 : f32 to vector<256x1xf32>
    %div3A_264 = arith.divf %div3A_263, %add3A_261 : vector<256x1xf32>
    %convert_element_type3A_265 = arith.truncf %div3A_264 : vector<256x1xf32> to vector<256x1xbf16>
    %mul3A_266 = vector.broadcast %convert_element_type3A_265 : vector<256x1xbf16> to vector<256x32xbf16>
    %mul3A_267 = arith.mulf %convert_element_type3A_255, %mul3A_266 : vector<256x32xbf16>
    %dot_general3A_268 = arith.constant dense<0.000000e+00> : vector<256x256xf32>
    %dot_general3A_269 = tpu.matmul %mul3A_267, %get3A_7, %dot_general3A_268 {dimension_numbers = #tpu.dot_dimension_numbers<[1], [0], [0], [1], [0, 0, 1, 1], [], []>, transpose_lhs_hint = false} : vector<256x32xbf16>, vector<32x256xbf16>, vector<256x256xf32> -> vector<256x256xf32>
    %convert_element_type3A_270 = arith.truncf %dot_general3A_269 : vector<256x256xf32> to vector<256x256xbf16>
    %mul3A_271 = arith.mulf %convert_element_type3A_270, %get3A_4 : vector<256x256xbf16>
    %swap3A_272 = arith.constant 1280 : index
    %swap3A_273 = arith.constant 0 : index
    %swap3A_274 = vector.load %arg14[%swap3A_272, %swap3A_273] : memref<2048x256xbf16, #tpu.memory_space<vmem>>, vector<256x256xbf16>
    tpu.vector_store %arg14[%swap3A_272, %swap3A_273], %mul3A_271 {strides = array<i32>} : memref<2048x256xbf16, #tpu.memory_space<vmem>>, vector<256x256xbf16>,
    %get3A_275 = arith.constant 48 : index
    %get3A_276 = arith.constant 0 : index
    %get3A_277 = vector.load %arg2[%get3A_275, %get3A_276] : memref<64x32xi32, #tpu.memory_space<vmem>>, vector<8x32xi32>
    %broadcast_in_dim3A_278 = vector.shape_cast %get3A_277 : vector<8x32xi32> to vector<8x32x1xi32>
    %iota3A_279 = tpu.iota {dimensions = array<i32: 2>} : vector<8x32x8xi32>
    %eq3A_280 = vector.broadcast %broadcast_in_dim3A_278 : vector<8x32x1xi32> to vector<8x32x8xi32>
    %eq3A_281 = arith.cmpi eq, %eq3A_280, %iota3A_279 : vector<8x32x8xi32>
    %convert_element_type3A_282 = arith.extui %eq3A_281 : vector<8x32x8xi1> to vector<8x32x8xi32>
    %convert_element_type3A_283 = arith.sitofp %convert_element_type3A_282 : vector<8x32x8xi32> to vector<8x32x8xf32>
    %convert_element_type3A_284 = arith.truncf %convert_element_type3A_283 : vector<8x32x8xf32> to vector<8x32x8xbf16>
    %reshape3A_285 = vector.shape_cast %convert_element_type3A_284 : vector<8x32x8xbf16> to vector<256x8xbf16>
    %dot_general3A_286 = arith.constant dense<0.000000e+00> : vector<256x128xf32>
    %dot_general3A_287 = tpu.matmul %reshape3A_285, %get3A_1, %dot_general3A_286 {dimension_numbers = #tpu.dot_dimension_numbers<[1], [0], [0], [1], [0, 0, 1, 1], [], []>, transpose_lhs_hint = false} : vector<256x8xbf16>, vector<8x128xbf16>, vector<256x128xf32> -> vector<256x128xf32>
    %get3A_288 = arith.constant 1536 : index
    %get3A_289 = arith.constant 0 : index
    %get3A_290 = vector.load %arg1[%get3A_288, %get3A_289] : memref<2048x128xf32, #tpu.memory_space<vmem>>, vector<256x128xf32>
    %add3A_291 = arith.addf %get3A_290, %dot_general3A_287 : vector<256x128xf32>
    %convert_element_type3A_292 = arith.truncf %add3A_291 : vector<256x128xf32> to vector<256x128xbf16>
    %swap3A_293 = arith.constant 1536 : index
    %swap3A_294 = arith.constant 0 : index
    %swap3A_295 = vector.load %arg12[%swap3A_293, %swap3A_294] : memref<2048x128xbf16, #tpu.memory_space<vmem>>, vector<256x128xbf16>
    tpu.vector_store %arg12[%swap3A_293, %swap3A_294], %convert_element_type3A_292 {strides = array<i32>} : memref<2048x128xbf16, #tpu.memory_space<vmem>>, vector<256x128xbf16>,
    %get3A_296 = arith.constant 48 : index
    %get3A_297 = arith.constant 0 : index
    %get3A_298 = arith.constant 0 : index
    %get3A_299 = vector.load %arg3[%get3A_296, %get3A_297, %get3A_298] : memref<64x32x32xf32, #tpu.memory_space<vmem>>, vector<8x32x32xf32>
    %reshape3A_300 = vector.shape_cast %get3A_299 : vector<8x32x32xf32> to vector<256x32xf32>
    %convert_element_type3A_301 = arith.truncf %reshape3A_300 : vector<256x32xf32> to vector<256x32xbf16>
    %dot_general3A_302 = arith.constant dense<0.000000e+00> : vector<256x8xf32>
    %dot_general3A_303 = tpu.matmul %convert_element_type3A_301, %broadcast_in_dim3A_8, %dot_general3A_302 {dimension_numbers = #tpu.dot_dimension_numbers<[1], [0], [0], [1], [0, 0, 1, 1], [], []>, transpose_lhs_hint = false} : vector<256x32xbf16>, vector<32x8xbf16>, vector<256x8xf32> -> vector<256x8xf32>
    %slice3A_304 = vector.extract_strided_slice %dot_general3A_303 {offsets = [0, 0], sizes = [256, 1], strides = [1, 1]} : vector<256x8xf32> to vector<256x1xf32>
    %add3A_305 = arith.constant 9.99999997E-7 : f32
    %add3A_306 = vector.broadcast %add3A_305 : f32 to vector<256x1xf32>
    %add3A_307 = arith.addf %slice3A_304, %add3A_306 : vector<256x1xf32>
    %div3A_308 = arith.constant 1.000000e+00 : f32
    %div3A_309 = vector.broadcast %div3A_308 : f32 to vector<256x1xf32>
    %div3A_310 = arith.divf %div3A_309, %add3A_307 : vector<256x1xf32>
    %convert_element_type3A_311 = arith.truncf %div3A_310 : vector<256x1xf32> to vector<256x1xbf16>
    %mul3A_312 = vector.broadcast %convert_element_type3A_311 : vector<256x1xbf16> to vector<256x32xbf16>
    %mul3A_313 = arith.mulf %convert_element_type3A_301, %mul3A_312 : vector<256x32xbf16>
    %dot_general3A_314 = arith.constant dense<0.000000e+00> : vector<256x256xf32>
    %dot_general3A_315 = tpu.matmul %mul3A_313, %get3A_7, %dot_general3A_314 {dimension_numbers = #tpu.dot_dimension_numbers<[1], [0], [0], [1], [0, 0, 1, 1], [], []>, transpose_lhs_hint = false} : vector<256x32xbf16>, vector<32x256xbf16>, vector<256x256xf32> -> vector<256x256xf32>
    %convert_element_type3A_316 = arith.truncf %dot_general3A_315 : vector<256x256xf32> to vector<256x256xbf16>
    %mul3A_317 = arith.mulf %convert_element_type3A_316, %get3A_4 : vector<256x256xbf16>
    %swap3A_318 = arith.constant 1536 : index
    %swap3A_319 = arith.constant 0 : index
    %swap3A_320 = vector.load %arg14[%swap3A_318, %swap3A_319] : memref<2048x256xbf16, #tpu.memory_space<vmem>>, vector<256x256xbf16>
    tpu.vector_store %arg14[%swap3A_318, %swap3A_319], %mul3A_317 {strides = array<i32>} : memref<2048x256xbf16, #tpu.memory_space<vmem>>, vector<256x256xbf16>,
    %get3A_321 = arith.constant 56 : index
    %get3A_322 = arith.constant 0 : index
    %get3A_323 = vector.load %arg2[%get3A_321, %get3A_322] : memref<64x32xi32, #tpu.memory_space<vmem>>, vector<8x32xi32>
    %broadcast_in_dim3A_324 = vector.shape_cast %get3A_323 : vector<8x32xi32> to vector<8x32x1xi32>
    %iota3A_325 = tpu.iota {dimensions = array<i32: 2>} : vector<8x32x8xi32>
    %eq3A_326 = vector.broadcast %broadcast_in_dim3A_324 : vector<8x32x1xi32> to vector<8x32x8xi32>
    %eq3A_327 = arith.cmpi eq, %eq3A_326, %iota3A_325 : vector<8x32x8xi32>
    %convert_element_type3A_328 = arith.extui %eq3A_327 : vector<8x32x8xi1> to vector<8x32x8xi32>
    %convert_element_type3A_329 = arith.sitofp %convert_element_type3A_328 : vector<8x32x8xi32> to vector<8x32x8xf32>
    %convert_element_type3A_330 = arith.truncf %convert_element_type3A_329 : vector<8x32x8xf32> to vector<8x32x8xbf16>
    %reshape3A_331 = vector.shape_cast %convert_element_type3A_330 : vector<8x32x8xbf16> to vector<256x8xbf16>
    %dot_general3A_332 = arith.constant dense<0.000000e+00> : vector<256x128xf32>
    %dot_general3A_333 = tpu.matmul %reshape3A_331, %get3A_1, %dot_general3A_332 {dimension_numbers = #tpu.dot_dimension_numbers<[1], [0], [0], [1], [0, 0, 1, 1], [], []>, transpose_lhs_hint = false} : vector<256x8xbf16>, vector<8x128xbf16>, vector<256x128xf32> -> vector<256x128xf32>
    %get3A_334 = arith.constant 1792 : index
    %get3A_335 = arith.constant 0 : index
    %get3A_336 = vector.load %arg1[%get3A_334, %get3A_335] : memref<2048x128xf32, #tpu.memory_space<vmem>>, vector<256x128xf32>
    %add3A_337 = arith.addf %get3A_336, %dot_general3A_333 : vector<256x128xf32>
    %convert_element_type3A_338 = arith.truncf %add3A_337 : vector<256x128xf32> to vector<256x128xbf16>
    %swap3A_339 = arith.constant 1792 : index
    %swap3A_340 = arith.constant 0 : index
    %swap3A_341 = vector.load %arg12[%swap3A_339, %swap3A_340] : memref<2048x128xbf16, #tpu.memory_space<vmem>>, vector<256x128xbf16>
    tpu.vector_store %arg12[%swap3A_339, %swap3A_340], %convert_element_type3A_338 {strides = array<i32>} : memref<2048x128xbf16, #tpu.memory_space<vmem>>, vector<256x128xbf16>,
    %get3A_342 = arith.constant 56 : index
    %get3A_343 = arith.constant 0 : index
    %get3A_344 = arith.constant 0 : index
    %get3A_345 = vector.load %arg3[%get3A_342, %get3A_343, %get3A_344] : memref<64x32x32xf32, #tpu.memory_space<vmem>>, vector<8x32x32xf32>
    %reshape3A_346 = vector.shape_cast %get3A_345 : vector<8x32x32xf32> to vector<256x32xf32>
    %convert_element_type3A_347 = arith.truncf %reshape3A_346 : vector<256x32xf32> to vector<256x32xbf16>
    %dot_general3A_348 = arith.constant dense<0.000000e+00> : vector<256x8xf32>
    %dot_general3A_349 = tpu.matmul %convert_element_type3A_347, %broadcast_in_dim3A_8, %dot_general3A_348 {dimension_numbers = #tpu.dot_dimension_numbers<[1], [0], [0], [1], [0, 0, 1, 1], [], []>, transpose_lhs_hint = false} : vector<256x32xbf16>, vector<32x8xbf16>, vector<256x8xf32> -> vector<256x8xf32>
    %slice3A_350 = vector.extract_strided_slice %dot_general3A_349 {offsets = [0, 0], sizes = [256, 1], strides = [1, 1]} : vector<256x8xf32> to vector<256x1xf32>
    %add3A_351 = arith.constant 9.99999997E-7 : f32
    %add3A_352 = vector.broadcast %add3A_351 : f32 to vector<256x1xf32>
    %add3A_353 = arith.addf %slice3A_350, %add3A_352 : vector<256x1xf32>
    %div3A_354 = arith.constant 1.000000e+00 : f32
    %div3A_355 = vector.broadcast %div3A_354 : f32 to vector<256x1xf32>
    %div3A_356 = arith.divf %div3A_355, %add3A_353 : vector<256x1xf32>
    %convert_element_type3A_357 = arith.truncf %div3A_356 : vector<256x1xf32> to vector<256x1xbf16>
    %mul3A_358 = vector.broadcast %convert_element_type3A_357 : vector<256x1xbf16> to vector<256x32xbf16>
    %mul3A_359 = arith.mulf %convert_element_type3A_347, %mul3A_358 : vector<256x32xbf16>
    %dot_general3A_360 = arith.constant dense<0.000000e+00> : vector<256x256xf32>
    %dot_general3A_361 = tpu.matmul %mul3A_359, %get3A_7, %dot_general3A_360 {dimension_numbers = #tpu.dot_dimension_numbers<[1], [0], [0], [1], [0, 0, 1, 1], [], []>, transpose_lhs_hint = false} : vector<256x32xbf16>, vector<32x256xbf16>, vector<256x256xf32> -> vector<256x256xf32>
    %convert_element_type3A_362 = arith.truncf %dot_general3A_361 : vector<256x256xf32> to vector<256x256xbf16>
    %mul3A_363 = arith.mulf %convert_element_type3A_362, %get3A_4 : vector<256x256xbf16>
    %swap3A_364 = arith.constant 1792 : index
    %swap3A_365 = arith.constant 0 : index
    %swap3A_366 = vector.load %arg14[%swap3A_364, %swap3A_365] : memref<2048x256xbf16, #tpu.memory_space<vmem>>, vector<256x256xbf16>
    tpu.vector_store %arg14[%swap3A_364, %swap3A_365], %mul3A_363 {strides = array<i32>} : memref<2048x256xbf16, #tpu.memory_space<vmem>>, vector<256x256xbf16>,
    %get3A_367 = arith.constant 0 : index
    %get3A_368 = arith.constant 0 : index
    %get3A_369 = vector.load %arg14[%get3A_367, %get3A_368] : memref<2048x256xbf16, #tpu.memory_space<vmem>>, vector<256x256xbf16>
    %get3A_370 = arith.constant 0 : index
    %get3A_371 = arith.constant 0 : index
    %get3A_372 = vector.load %arg12[%get3A_370, %get3A_371] : memref<2048x128xbf16, #tpu.memory_space<vmem>>, vector<256x128xbf16>
    %dot_general3A_373 = arith.constant dense<0.000000e+00> : vector<256x128xf32>
    %dot_general3A_374 = tpu.matmul %get3A_369, %get3A_372, %dot_general3A_373 {dimension_numbers = #tpu.dot_dimension_numbers<[1], [0], [0], [1], [0, 0, 1, 1], [], []>, transpose_lhs_hint = false} : vector<256x256xbf16>, vector<256x128xbf16>, vector<256x128xf32> -> vector<256x128xf32>
    %convert_element_type3A_375 = arith.truncf %dot_general3A_374 : vector<256x128xf32> to vector<256x128xbf16>
    %swap3A_376 = arith.constant 0 : index
    %swap3A_377 = arith.constant 0 : index
    %swap3A_378 = vector.load %arg13[%swap3A_376, %swap3A_377] : memref<2048x128xbf16, #tpu.memory_space<vmem>>, vector<256x128xbf16>
    tpu.vector_store %arg13[%swap3A_376, %swap3A_377], %convert_element_type3A_375 {strides = array<i32>} : memref<2048x128xbf16, #tpu.memory_space<vmem>>, vector<256x128xbf16>,
    %get3A_379 = arith.constant 256 : index
    %get3A_380 = arith.constant 0 : index
    %get3A_381 = vector.load %arg14[%get3A_379, %get3A_380] : memref<2048x256xbf16, #tpu.memory_space<vmem>>, vector<256x256xbf16>
    %get3A_382 = arith.constant 256 : index
    %get3A_383 = arith.constant 0 : index
    %get3A_384 = vector.load %arg12[%get3A_382, %get3A_383] : memref<2048x128xbf16, #tpu.memory_space<vmem>>, vector<256x128xbf16>
    %dot_general3A_385 = arith.constant dense<0.000000e+00> : vector<256x128xf32>
    %dot_general3A_386 = tpu.matmul %get3A_381, %get3A_384, %dot_general3A_385 {dimension_numbers = #tpu.dot_dimension_numbers<[1], [0], [0], [1], [0, 0, 1, 1], [], []>, transpose_lhs_hint = false} : vector<256x256xbf16>, vector<256x128xbf16>, vector<256x128xf32> -> vector<256x128xf32>
    %convert_element_type3A_387 = arith.truncf %dot_general3A_386 : vector<256x128xf32> to vector<256x128xbf16>
    %swap3A_388 = arith.constant 256 : index
    %swap3A_389 = arith.constant 0 : index
    %swap3A_390 = vector.load %arg13[%swap3A_388, %swap3A_389] : memref<2048x128xbf16, #tpu.memory_space<vmem>>, vector<256x128xbf16>
    tpu.vector_store %arg13[%swap3A_388, %swap3A_389], %convert_element_type3A_387 {strides = array<i32>} : memref<2048x128xbf16, #tpu.memory_space<vmem>>, vector<256x128xbf16>,
    %get3A_391 = arith.constant 512 : index
    %get3A_392 = arith.constant 0 : index
    %get3A_393 = vector.load %arg14[%get3A_391, %get3A_392] : memref<2048x256xbf16, #tpu.memory_space<vmem>>, vector<256x256xbf16>
    %get3A_394 = arith.constant 512 : index
    %get3A_395 = arith.constant 0 : index
    %get3A_396 = vector.load %arg12[%get3A_394, %get3A_395] : memref<2048x128xbf16, #tpu.memory_space<vmem>>, vector<256x128xbf16>
    %dot_general3A_397 = arith.constant dense<0.000000e+00> : vector<256x128xf32>
    %dot_general3A_398 = tpu.matmul %get3A_393, %get3A_396, %dot_general3A_397 {dimension_numbers = #tpu.dot_dimension_numbers<[1], [0], [0], [1], [0, 0, 1, 1], [], []>, transpose_lhs_hint = false} : vector<256x256xbf16>, vector<256x128xbf16>, vector<256x128xf32> -> vector<256x128xf32>
    %convert_element_type3A_399 = arith.truncf %dot_general3A_398 : vector<256x128xf32> to vector<256x128xbf16>
    %swap3A_400 = arith.constant 512 : index
    %swap3A_401 = arith.constant 0 : index
    %swap3A_402 = vector.load %arg13[%swap3A_400, %swap3A_401] : memref<2048x128xbf16, #tpu.memory_space<vmem>>, vector<256x128xbf16>
    tpu.vector_store %arg13[%swap3A_400, %swap3A_401], %convert_element_type3A_399 {strides = array<i32>} : memref<2048x128xbf16, #tpu.memory_space<vmem>>, vector<256x128xbf16>,
    %get3A_403 = arith.constant 768 : index
    %get3A_404 = arith.constant 0 : index
    %get3A_405 = vector.load %arg14[%get3A_403, %get3A_404] : memref<2048x256xbf16, #tpu.memory_space<vmem>>, vector<256x256xbf16>
    %get3A_406 = arith.constant 768 : index
    %get3A_407 = arith.constant 0 : index
    %get3A_408 = vector.load %arg12[%get3A_406, %get3A_407] : memref<2048x128xbf16, #tpu.memory_space<vmem>>, vector<256x128xbf16>
    %dot_general3A_409 = arith.constant dense<0.000000e+00> : vector<256x128xf32>
    %dot_general3A_410 = tpu.matmul %get3A_405, %get3A_408, %dot_general3A_409 {dimension_numbers = #tpu.dot_dimension_numbers<[1], [0], [0], [1], [0, 0, 1, 1], [], []>, transpose_lhs_hint = false} : vector<256x256xbf16>, vector<256x128xbf16>, vector<256x128xf32> -> vector<256x128xf32>
    %convert_element_type3A_411 = arith.truncf %dot_general3A_410 : vector<256x128xf32> to vector<256x128xbf16>
    %swap3A_412 = arith.constant 768 : index
    %swap3A_413 = arith.constant 0 : index
    %swap3A_414 = vector.load %arg13[%swap3A_412, %swap3A_413] : memref<2048x128xbf16, #tpu.memory_space<vmem>>, vector<256x128xbf16>
    tpu.vector_store %arg13[%swap3A_412, %swap3A_413], %convert_element_type3A_411 {strides = array<i32>} : memref<2048x128xbf16, #tpu.memory_space<vmem>>, vector<256x128xbf16>,
    %get3A_415 = arith.constant 1024 : index
    %get3A_416 = arith.constant 0 : index
    %get3A_417 = vector.load %arg14[%get3A_415, %get3A_416] : memref<2048x256xbf16, #tpu.memory_space<vmem>>, vector<256x256xbf16>
    %get3A_418 = arith.constant 1024 : index
    %get3A_419 = arith.constant 0 : index
    %get3A_420 = vector.load %arg12[%get3A_418, %get3A_419] : memref<2048x128xbf16, #tpu.memory_space<vmem>>, vector<256x128xbf16>
    %dot_general3A_421 = arith.constant dense<0.000000e+00> : vector<256x128xf32>
    %dot_general3A_422 = tpu.matmul %get3A_417, %get3A_420, %dot_general3A_421 {dimension_numbers = #tpu.dot_dimension_numbers<[1], [0], [0], [1], [0, 0, 1, 1], [], []>, transpose_lhs_hint = false} : vector<256x256xbf16>, vector<256x128xbf16>, vector<256x128xf32> -> vector<256x128xf32>
    %convert_element_type3A_423 = arith.truncf %dot_general3A_422 : vector<256x128xf32> to vector<256x128xbf16>
    %swap3A_424 = arith.constant 1024 : index
    %swap3A_425 = arith.constant 0 : index
    %swap3A_426 = vector.load %arg13[%swap3A_424, %swap3A_425] : memref<2048x128xbf16, #tpu.memory_space<vmem>>, vector<256x128xbf16>
    tpu.vector_store %arg13[%swap3A_424, %swap3A_425], %convert_element_type3A_423 {strides = array<i32>} : memref<2048x128xbf16, #tpu.memory_space<vmem>>, vector<256x128xbf16>,
    %get3A_427 = arith.constant 1280 : index
    %get3A_428 = arith.constant 0 : index
    %get3A_429 = vector.load %arg14[%get3A_427, %get3A_428] : memref<2048x256xbf16, #tpu.memory_space<vmem>>, vector<256x256xbf16>
    %get3A_430 = arith.constant 1280 : index
    %get3A_431 = arith.constant 0 : index
    %get3A_432 = vector.load %arg12[%get3A_430, %get3A_431] : memref<2048x128xbf16, #tpu.memory_space<vmem>>, vector<256x128xbf16>
    %dot_general3A_433 = arith.constant dense<0.000000e+00> : vector<256x128xf32>
    %dot_general3A_434 = tpu.matmul %get3A_429, %get3A_432, %dot_general3A_433 {dimension_numbers = #tpu.dot_dimension_numbers<[1], [0], [0], [1], [0, 0, 1, 1], [], []>, transpose_lhs_hint = false} : vector<256x256xbf16>, vector<256x128xbf16>, vector<256x128xf32> -> vector<256x128xf32>
    %convert_element_type3A_435 = arith.truncf %dot_general3A_434 : vector<256x128xf32> to vector<256x128xbf16>
    %swap3A_436 = arith.constant 1280 : index
    %swap3A_437 = arith.constant 0 : index
    %swap3A_438 = vector.load %arg13[%swap3A_436, %swap3A_437] : memref<2048x128xbf16, #tpu.memory_space<vmem>>, vector<256x128xbf16>
    tpu.vector_store %arg13[%swap3A_436, %swap3A_437], %convert_element_type3A_435 {strides = array<i32>} : memref<2048x128xbf16, #tpu.memory_space<vmem>>, vector<256x128xbf16>,
    %get3A_439 = arith.constant 1536 : index
    %get3A_440 = arith.constant 0 : index
    %get3A_441 = vector.load %arg14[%get3A_439, %get3A_440] : memref<2048x256xbf16, #tpu.memory_space<vmem>>, vector<256x256xbf16>
    %get3A_442 = arith.constant 1536 : index
    %get3A_443 = arith.constant 0 : index
    %get3A_444 = vector.load %arg12[%get3A_442, %get3A_443] : memref<2048x128xbf16, #tpu.memory_space<vmem>>, vector<256x128xbf16>
    %dot_general3A_445 = arith.constant dense<0.000000e+00> : vector<256x128xf32>
    %dot_general3A_446 = tpu.matmul %get3A_441, %get3A_444, %dot_general3A_445 {dimension_numbers = #tpu.dot_dimension_numbers<[1], [0], [0], [1], [0, 0, 1, 1], [], []>, transpose_lhs_hint = false} : vector<256x256xbf16>, vector<256x128xbf16>, vector<256x128xf32> -> vector<256x128xf32>
    %convert_element_type3A_447 = arith.truncf %dot_general3A_446 : vector<256x128xf32> to vector<256x128xbf16>
    %swap3A_448 = arith.constant 1536 : index
    %swap3A_449 = arith.constant 0 : index
    %swap3A_450 = vector.load %arg13[%swap3A_448, %swap3A_449] : memref<2048x128xbf16, #tpu.memory_space<vmem>>, vector<256x128xbf16>
    tpu.vector_store %arg13[%swap3A_448, %swap3A_449], %convert_element_type3A_447 {strides = array<i32>} : memref<2048x128xbf16, #tpu.memory_space<vmem>>, vector<256x128xbf16>,
    %get3A_451 = arith.constant 1792 : index
    %get3A_452 = arith.constant 0 : index
    %get3A_453 = vector.load %arg14[%get3A_451, %get3A_452] : memref<2048x256xbf16, #tpu.memory_space<vmem>>, vector<256x256xbf16>
    %get3A_454 = arith.constant 1792 : index
    %get3A_455 = arith.constant 0 : index
    %get3A_456 = vector.load %arg12[%get3A_454, %get3A_455] : memref<2048x128xbf16, #tpu.memory_space<vmem>>, vector<256x128xbf16>
    %dot_general3A_457 = arith.constant dense<0.000000e+00> : vector<256x128xf32>
    %dot_general3A_458 = tpu.matmul %get3A_453, %get3A_456, %dot_general3A_457 {dimension_numbers = #tpu.dot_dimension_numbers<[1], [0], [0], [1], [0, 0, 1, 1], [], []>, transpose_lhs_hint = false} : vector<256x256xbf16>, vector<256x128xbf16>, vector<256x128xf32> -> vector<256x128xf32>
    %convert_element_type3A_459 = arith.truncf %dot_general3A_458 : vector<256x128xf32> to vector<256x128xbf16>
    %swap3A_460 = arith.constant 1792 : index
    %swap3A_461 = arith.constant 0 : index
    %swap3A_462 = vector.load %arg13[%swap3A_460, %swap3A_461] : memref<2048x128xbf16, #tpu.memory_space<vmem>>, vector<256x128xbf16>
    tpu.vector_store %arg13[%swap3A_460, %swap3A_461], %convert_element_type3A_459 {strides = array<i32>} : memref<2048x128xbf16, #tpu.memory_space<vmem>>, vector<256x128xbf16>,
    %get3A_463 = arith.constant 0 : index
    %get3A_464 = arith.constant 0 : index
    %get3A_465 = vector.load %arg13[%get3A_463, %get3A_464] : memref<2048x128xbf16, #tpu.memory_space<vmem>>, vector<2048x128xbf16>
    %get3A_466 = arith.constant 0 : index
    %get3A_467 = arith.constant 0 : index
    %get3A_468 = vector.load %arg8[%get3A_466, %get3A_467] : memref<128x128xbf16, #tpu.memory_space<vmem>>, vector<128x128xbf16>
    %dot_general3A_469 = arith.constant dense<0.000000e+00> : vector<2048x128xf32>
    %dot_general3A_470 = tpu.matmul %get3A_465, %get3A_468, %dot_general3A_469 {dimension_numbers = #tpu.dot_dimension_numbers<[1], [0], [0], [1], [0, 0, 1, 1], [], []>, transpose_lhs_hint = false} : vector<2048x128xbf16>, vector<128x128xbf16>, vector<2048x128xf32> -> vector<2048x128xf32>
    %max3A = arith.constant 0.000000e+00 : f32
    %max3A_471 = vector.broadcast %max3A : f32 to vector<2048x128xf32>
    %max3A_472 = arith.maximumf %dot_general3A_470, %max3A_471 : vector<2048x128xf32>
    %convert_element_type3A_473 = arith.truncf %max3A_472 : vector<2048x128xf32> to vector<2048x128xbf16>
    %swap3A_474 = arith.constant 0 : index
    %swap3A_475 = arith.constant 0 : index
    %swap3A_476 = vector.load %arg12[%swap3A_474, %swap3A_475] : memref<2048x128xbf16, #tpu.memory_space<vmem>>, vector<2048x128xbf16>
    tpu.vector_store %arg12[%swap3A_474, %swap3A_475], %convert_element_type3A_473 {strides = array<i32>} : memref<2048x128xbf16, #tpu.memory_space<vmem>>, vector<2048x128xbf16>,
    %get3A_477 = arith.constant 0 : index
    %get3A_478 = arith.constant 0 : index
    %get3A_479 = vector.load %arg14[%get3A_477, %get3A_478] : memref<2048x256xbf16, #tpu.memory_space<vmem>>, vector<256x256xbf16>
    %get3A_480 = arith.constant 0 : index
    %get3A_481 = arith.constant 0 : index
    %get3A_482 = vector.load %arg12[%get3A_480, %get3A_481] : memref<2048x128xbf16, #tpu.memory_space<vmem>>, vector<256x128xbf16>
    %dot_general3A_483 = arith.constant dense<0.000000e+00> : vector<256x128xf32>
    %dot_general3A_484 = tpu.matmul %get3A_479, %get3A_482, %dot_general3A_483 {dimension_numbers = #tpu.dot_dimension_numbers<[1], [0], [0], [1], [0, 0, 1, 1], [], []>, transpose_lhs_hint = false} : vector<256x256xbf16>, vector<256x128xbf16>, vector<256x128xf32> -> vector<256x128xf32>
    %convert_element_type3A_485 = arith.truncf %dot_general3A_484 : vector<256x128xf32> to vector<256x128xbf16>
    %swap3A_486 = arith.constant 0 : index
    %swap3A_487 = arith.constant 0 : index
    %swap3A_488 = vector.load %arg13[%swap3A_486, %swap3A_487] : memref<2048x128xbf16, #tpu.memory_space<vmem>>, vector<256x128xbf16>
    tpu.vector_store %arg13[%swap3A_486, %swap3A_487], %convert_element_type3A_485 {strides = array<i32>} : memref<2048x128xbf16, #tpu.memory_space<vmem>>, vector<256x128xbf16>,
    %get3A_489 = arith.constant 256 : index
    %get3A_490 = arith.constant 0 : index
    %get3A_491 = vector.load %arg14[%get3A_489, %get3A_490] : memref<2048x256xbf16, #tpu.memory_space<vmem>>, vector<256x256xbf16>
    %get3A_492 = arith.constant 256 : index
    %get3A_493 = arith.constant 0 : index
    %get3A_494 = vector.load %arg12[%get3A_492, %get3A_493] : memref<2048x128xbf16, #tpu.memory_space<vmem>>, vector<256x128xbf16>
    %dot_general3A_495 = arith.constant dense<0.000000e+00> : vector<256x128xf32>
    %dot_general3A_496 = tpu.matmul %get3A_491, %get3A_494, %dot_general3A_495 {dimension_numbers = #tpu.dot_dimension_numbers<[1], [0], [0], [1], [0, 0, 1, 1], [], []>, transpose_lhs_hint = false} : vector<256x256xbf16>, vector<256x128xbf16>, vector<256x128xf32> -> vector<256x128xf32>
    %convert_element_type3A_497 = arith.truncf %dot_general3A_496 : vector<256x128xf32> to vector<256x128xbf16>
    %swap3A_498 = arith.constant 256 : index
    %swap3A_499 = arith.constant 0 : index
    %swap3A_500 = vector.load %arg13[%swap3A_498, %swap3A_499] : memref<2048x128xbf16, #tpu.memory_space<vmem>>, vector<256x128xbf16>
    tpu.vector_store %arg13[%swap3A_498, %swap3A_499], %convert_element_type3A_497 {strides = array<i32>} : memref<2048x128xbf16, #tpu.memory_space<vmem>>, vector<256x128xbf16>,
    %get3A_501 = arith.constant 512 : index
    %get3A_502 = arith.constant 0 : index
    %get3A_503 = vector.load %arg14[%get3A_501, %get3A_502] : memref<2048x256xbf16, #tpu.memory_space<vmem>>, vector<256x256xbf16>
    %get3A_504 = arith.constant 512 : index
    %get3A_505 = arith.constant 0 : index
    %get3A_506 = vector.load %arg12[%get3A_504, %get3A_505] : memref<2048x128xbf16, #tpu.memory_space<vmem>>, vector<256x128xbf16>
    %dot_general3A_507 = arith.constant dense<0.000000e+00> : vector<256x128xf32>
    %dot_general3A_508 = tpu.matmul %get3A_503, %get3A_506, %dot_general3A_507 {dimension_numbers = #tpu.dot_dimension_numbers<[1], [0], [0], [1], [0, 0, 1, 1], [], []>, transpose_lhs_hint = false} : vector<256x256xbf16>, vector<256x128xbf16>, vector<256x128xf32> -> vector<256x128xf32>
    %convert_element_type3A_509 = arith.truncf %dot_general3A_508 : vector<256x128xf32> to vector<256x128xbf16>
    %swap3A_510 = arith.constant 512 : index
    %swap3A_511 = arith.constant 0 : index
    %swap3A_512 = vector.load %arg13[%swap3A_510, %swap3A_511] : memref<2048x128xbf16, #tpu.memory_space<vmem>>, vector<256x128xbf16>
    tpu.vector_store %arg13[%swap3A_510, %swap3A_511], %convert_element_type3A_509 {strides = array<i32>} : memref<2048x128xbf16, #tpu.memory_space<vmem>>, vector<256x128xbf16>,
    %get3A_513 = arith.constant 768 : index
    %get3A_514 = arith.constant 0 : index
    %get3A_515 = vector.load %arg14[%get3A_513, %get3A_514] : memref<2048x256xbf16, #tpu.memory_space<vmem>>, vector<256x256xbf16>
    %get3A_516 = arith.constant 768 : index
    %get3A_517 = arith.constant 0 : index
    %get3A_518 = vector.load %arg12[%get3A_516, %get3A_517] : memref<2048x128xbf16, #tpu.memory_space<vmem>>, vector<256x128xbf16>
    %dot_general3A_519 = arith.constant dense<0.000000e+00> : vector<256x128xf32>
    %dot_general3A_520 = tpu.matmul %get3A_515, %get3A_518, %dot_general3A_519 {dimension_numbers = #tpu.dot_dimension_numbers<[1], [0], [0], [1], [0, 0, 1, 1], [], []>, transpose_lhs_hint = false} : vector<256x256xbf16>, vector<256x128xbf16>, vector<256x128xf32> -> vector<256x128xf32>
    %convert_element_type3A_521 = arith.truncf %dot_general3A_520 : vector<256x128xf32> to vector<256x128xbf16>
    %swap3A_522 = arith.constant 768 : index
    %swap3A_523 = arith.constant 0 : index
    %swap3A_524 = vector.load %arg13[%swap3A_522, %swap3A_523] : memref<2048x128xbf16, #tpu.memory_space<vmem>>, vector<256x128xbf16>
    tpu.vector_store %arg13[%swap3A_522, %swap3A_523], %convert_element_type3A_521 {strides = array<i32>} : memref<2048x128xbf16, #tpu.memory_space<vmem>>, vector<256x128xbf16>,
    %get3A_525 = arith.constant 1024 : index
    %get3A_526 = arith.constant 0 : index
    %get3A_527 = vector.load %arg14[%get3A_525, %get3A_526] : memref<2048x256xbf16, #tpu.memory_space<vmem>>, vector<256x256xbf16>
    %get3A_528 = arith.constant 1024 : index
    %get3A_529 = arith.constant 0 : index
    %get3A_530 = vector.load %arg12[%get3A_528, %get3A_529] : memref<2048x128xbf16, #tpu.memory_space<vmem>>, vector<256x128xbf16>
    %dot_general3A_531 = arith.constant dense<0.000000e+00> : vector<256x128xf32>
    %dot_general3A_532 = tpu.matmul %get3A_527, %get3A_530, %dot_general3A_531 {dimension_numbers = #tpu.dot_dimension_numbers<[1], [0], [0], [1], [0, 0, 1, 1], [], []>, transpose_lhs_hint = false} : vector<256x256xbf16>, vector<256x128xbf16>, vector<256x128xf32> -> vector<256x128xf32>
    %convert_element_type3A_533 = arith.truncf %dot_general3A_532 : vector<256x128xf32> to vector<256x128xbf16>
    %swap3A_534 = arith.constant 1024 : index
    %swap3A_535 = arith.constant 0 : index
    %swap3A_536 = vector.load %arg13[%swap3A_534, %swap3A_535] : memref<2048x128xbf16, #tpu.memory_space<vmem>>, vector<256x128xbf16>
    tpu.vector_store %arg13[%swap3A_534, %swap3A_535], %convert_element_type3A_533 {strides = array<i32>} : memref<2048x128xbf16, #tpu.memory_space<vmem>>, vector<256x128xbf16>,
    %get3A_537 = arith.constant 1280 : index
    %get3A_538 = arith.constant 0 : index
    %get3A_539 = vector.load %arg14[%get3A_537, %get3A_538] : memref<2048x256xbf16, #tpu.memory_space<vmem>>, vector<256x256xbf16>
    %get3A_540 = arith.constant 1280 : index
    %get3A_541 = arith.constant 0 : index
    %get3A_542 = vector.load %arg12[%get3A_540, %get3A_541] : memref<2048x128xbf16, #tpu.memory_space<vmem>>, vector<256x128xbf16>
    %dot_general3A_543 = arith.constant dense<0.000000e+00> : vector<256x128xf32>
    %dot_general3A_544 = tpu.matmul %get3A_539, %get3A_542, %dot_general3A_543 {dimension_numbers = #tpu.dot_dimension_numbers<[1], [0], [0], [1], [0, 0, 1, 1], [], []>, transpose_lhs_hint = false} : vector<256x256xbf16>, vector<256x128xbf16>, vector<256x128xf32> -> vector<256x128xf32>
    %convert_element_type3A_545 = arith.truncf %dot_general3A_544 : vector<256x128xf32> to vector<256x128xbf16>
    %swap3A_546 = arith.constant 1280 : index
    %swap3A_547 = arith.constant 0 : index
    %swap3A_548 = vector.load %arg13[%swap3A_546, %swap3A_547] : memref<2048x128xbf16, #tpu.memory_space<vmem>>, vector<256x128xbf16>
    tpu.vector_store %arg13[%swap3A_546, %swap3A_547], %convert_element_type3A_545 {strides = array<i32>} : memref<2048x128xbf16, #tpu.memory_space<vmem>>, vector<256x128xbf16>,
    %get3A_549 = arith.constant 1536 : index
    %get3A_550 = arith.constant 0 : index
    %get3A_551 = vector.load %arg14[%get3A_549, %get3A_550] : memref<2048x256xbf16, #tpu.memory_space<vmem>>, vector<256x256xbf16>
    %get3A_552 = arith.constant 1536 : index
    %get3A_553 = arith.constant 0 : index
    %get3A_554 = vector.load %arg12[%get3A_552, %get3A_553] : memref<2048x128xbf16, #tpu.memory_space<vmem>>, vector<256x128xbf16>
    %dot_general3A_555 = arith.constant dense<0.000000e+00> : vector<256x128xf32>
    %dot_general3A_556 = tpu.matmul %get3A_551, %get3A_554, %dot_general3A_555 {dimension_numbers = #tpu.dot_dimension_numbers<[1], [0], [0], [1], [0, 0, 1, 1], [], []>, transpose_lhs_hint = false} : vector<256x256xbf16>, vector<256x128xbf16>, vector<256x128xf32> -> vector<256x128xf32>
    %convert_element_type3A_557 = arith.truncf %dot_general3A_556 : vector<256x128xf32> to vector<256x128xbf16>
    %swap3A_558 = arith.constant 1536 : index
    %swap3A_559 = arith.constant 0 : index
    %swap3A_560 = vector.load %arg13[%swap3A_558, %swap3A_559] : memref<2048x128xbf16, #tpu.memory_space<vmem>>, vector<256x128xbf16>
    tpu.vector_store %arg13[%swap3A_558, %swap3A_559], %convert_element_type3A_557 {strides = array<i32>} : memref<2048x128xbf16, #tpu.memory_space<vmem>>, vector<256x128xbf16>,
    %get3A_561 = arith.constant 1792 : index
    %get3A_562 = arith.constant 0 : index
    %get3A_563 = vector.load %arg14[%get3A_561, %get3A_562] : memref<2048x256xbf16, #tpu.memory_space<vmem>>, vector<256x256xbf16>
    %get3A_564 = arith.constant 1792 : index
    %get3A_565 = arith.constant 0 : index
    %get3A_566 = vector.load %arg12[%get3A_564, %get3A_565] : memref<2048x128xbf16, #tpu.memory_space<vmem>>, vector<256x128xbf16>
    %dot_general3A_567 = arith.constant dense<0.000000e+00> : vector<256x128xf32>
    %dot_general3A_568 = tpu.matmul %get3A_563, %get3A_566, %dot_general3A_567 {dimension_numbers = #tpu.dot_dimension_numbers<[1], [0], [0], [1], [0, 0, 1, 1], [], []>, transpose_lhs_hint = false} : vector<256x256xbf16>, vector<256x128xbf16>, vector<256x128xf32> -> vector<256x128xf32>
    %convert_element_type3A_569 = arith.truncf %dot_general3A_568 : vector<256x128xf32> to vector<256x128xbf16>
    %swap3A_570 = arith.constant 1792 : index
    %swap3A_571 = arith.constant 0 : index
    %swap3A_572 = vector.load %arg13[%swap3A_570, %swap3A_571] : memref<2048x128xbf16, #tpu.memory_space<vmem>>, vector<256x128xbf16>
    tpu.vector_store %arg13[%swap3A_570, %swap3A_571], %convert_element_type3A_569 {strides = array<i32>} : memref<2048x128xbf16, #tpu.memory_space<vmem>>, vector<256x128xbf16>,
    %get3A_573 = arith.constant 0 : index
    %get3A_574 = arith.constant 0 : index
    %get3A_575 = vector.load %arg13[%get3A_573, %get3A_574] : memref<2048x128xbf16, #tpu.memory_space<vmem>>, vector<2048x128xbf16>
    %get3A_576 = arith.constant 0 : index
    %get3A_577 = arith.constant 0 : index
    %get3A_578 = vector.load %arg9[%get3A_576, %get3A_577] : memref<128x128xbf16, #tpu.memory_space<vmem>>, vector<128x128xbf16>
    %dot_general3A_579 = arith.constant dense<0.000000e+00> : vector<2048x128xf32>
    %dot_general3A_580 = tpu.matmul %get3A_575, %get3A_578, %dot_general3A_579 {dimension_numbers = #tpu.dot_dimension_numbers<[1], [0], [0], [1], [0, 0, 1, 1], [], []>, transpose_lhs_hint = false} : vector<2048x128xbf16>, vector<128x128xbf16>, vector<2048x128xf32> -> vector<2048x128xf32>
    %max3A_581 = arith.constant 0.000000e+00 : f32
    %max3A_582 = vector.broadcast %max3A_581 : f32 to vector<2048x128xf32>
    %max3A_583 = arith.maximumf %dot_general3A_580, %max3A_582 : vector<2048x128xf32>
    %convert_element_type3A_584 = arith.truncf %max3A_583 : vector<2048x128xf32> to vector<2048x128xbf16>
    %swap3A_585 = arith.constant 0 : index
    %swap3A_586 = arith.constant 0 : index
    %swap3A_587 = vector.load %arg12[%swap3A_585, %swap3A_586] : memref<2048x128xbf16, #tpu.memory_space<vmem>>, vector<2048x128xbf16>
    tpu.vector_store %arg12[%swap3A_585, %swap3A_586], %convert_element_type3A_584 {strides = array<i32>} : memref<2048x128xbf16, #tpu.memory_space<vmem>>, vector<2048x128xbf16>,
    %get3A_588 = arith.constant 0 : index
    %get3A_589 = arith.constant 0 : index
    %get3A_590 = vector.load %arg5[%get3A_588, %get3A_589] : memref<64x2048xbf16, #tpu.memory_space<vmem>>, vector<64x2048xbf16>
    %get3A_591 = arith.constant 0 : index
    %get3A_592 = arith.constant 0 : index
    %get3A_593 = vector.load %arg12[%get3A_591, %get3A_592] : memref<2048x128xbf16, #tpu.memory_space<vmem>>, vector<2048x128xbf16>
    %dot_general3A_594 = arith.constant dense<0.000000e+00> : vector<64x128xf32>
    %dot_general3A_595 = tpu.matmul %get3A_590, %get3A_593, %dot_general3A_594 {dimension_numbers = #tpu.dot_dimension_numbers<[1], [0], [0], [1], [0, 0, 1, 1], [], []>, transpose_lhs_hint = false} : vector<64x2048xbf16>, vector<2048x128xbf16>, vector<64x128xf32> -> vector<64x128xf32>
    %mul3A_596 = arith.constant 0.0312499981 : f32
    %mul3A_597 = vector.broadcast %mul3A_596 : f32 to vector<64x128xf32>
    %mul3A_598 = arith.mulf %dot_general3A_595, %mul3A_597 : vector<64x128xf32>
    %convert_element_type3A_599 = arith.truncf %mul3A_598 : vector<64x128xf32> to vector<64x128xbf16>
    %get3A_600 = arith.constant 0 : index
    %get3A_601 = arith.constant 0 : index
    %get3A_602 = vector.load %arg10[%get3A_600, %get3A_601] : memref<128x128xbf16, #tpu.memory_space<vmem>>, vector<128x128xbf16>
    %dot_general3A_603 = arith.constant dense<0.000000e+00> : vector<64x128xf32>
    %dot_general3A_604 = tpu.matmul %convert_element_type3A_599, %get3A_602, %dot_general3A_603 {dimension_numbers = #tpu.dot_dimension_numbers<[1], [0], [0], [1], [0, 0, 1, 1], [], []>, transpose_lhs_hint = false} : vector<64x128xbf16>, vector<128x128xbf16>, vector<64x128xf32> -> vector<64x128xf32>
    %swap3A_605 = arith.constant 0 : index
    %swap3A_606 = arith.constant 0 : index
    %swap3A_607 = vector.load %arg11[%swap3A_605, %swap3A_606] : memref<64x128xf32, #tpu.memory_space<vmem>>, vector<64x128xf32>
    tpu.vector_store %arg11[%swap3A_605, %swap3A_606], %dot_general3A_604 {strides = array<i32>} : memref<64x128xf32, #tpu.memory_space<vmem>>, vector<64x128xf32>,
    return
  }
  func.func @transform_0(%arg0: i32) -> (i32, i32) {
    %c0_i32 = arith.constant 0 : i32
    %c0_i32_0 = arith.constant 0 : i32
    return %arg0, %c0_i32 : i32, i32
  }
  func.func @transform_1(%arg0: i32) -> (i32, i32) {
    %c0_i32 = arith.constant 0 : i32
    %c0_i32_0 = arith.constant 0 : i32
    return %arg0, %c0_i32 : i32, i32
  }
  func.func @transform_2(%arg0: i32) -> (i32, i32, i32) {
    %c0_i32 = arith.constant 0 : i32
    %c0_i32_0 = arith.constant 0 : i32
    %c0_i32_1 = arith.constant 0 : i32
    return %arg0, %c0_i32, %c0_i32_0 : i32, i32, i32
  }
  func.func @transform_3(%arg0: i32) -> (i32, i32) {
    %c0_i32 = arith.constant 0 : i32
    %c0_i32_0 = arith.constant 0 : i32
    %c0_i32_1 = arith.constant 0 : i32
    return %c0_i32, %c0_i32_0 : i32, i32
  }
  func.func @transform_4(%arg0: i32) -> (i32, i32) {
    %c0_i32 = arith.constant 0 : i32
    %c0_i32_0 = arith.constant 0 : i32
    %c0_i32_1 = arith.constant 0 : i32
    return %c0_i32, %c0_i32_0 : i32, i32
  }
  func.func @transform_5(%arg0: i32) -> (i32, i32) {
    %c0_i32 = arith.constant 0 : i32
    %c0_i32_0 = arith.constant 0 : i32
    %c0_i32_1 = arith.constant 0 : i32
    return %c0_i32, %c0_i32_0 : i32, i32
  }
  func.func @transform_6(%arg0: i32) -> (i32, i32) {
    %c0_i32 = arith.constant 0 : i32
    %c0_i32_0 = arith.constant 0 : i32
    %c0_i32_1 = arith.constant 0 : i32
    return %c0_i32, %c0_i32_0 : i32, i32
  }
  func.func @transform_7(%arg0: i32) -> (i32, i32) {
    %c0_i32 = arith.constant 0 : i32
    %c0_i32_0 = arith.constant 0 : i32
    %c0_i32_1 = arith.constant 0 : i32
    return %c0_i32, %c0_i32_0 : i32, i32
  }
  func.func @transform_8(%arg0: i32) -> (i32, i32) {
    %c0_i32 = arith.constant 0 : i32
    %c0_i32_0 = arith.constant 0 : i32
    %c0_i32_1 = arith.constant 0 : i32
    return %c0_i32, %c0_i32_0 : i32, i32
  }
  func.func @transform_9(%arg0: i32) -> (i32, i32) {
    %c0_i32 = arith.constant 0 : i32
    %c0_i32_0 = arith.constant 0 : i32
    %c0_i32_1 = arith.constant 0 : i32
    return %c0_i32, %c0_i32_0 : i32, i32
  }
  func.func @transform_10(%arg0: i32) -> (i32, i32) {
    %c0_i32 = arith.constant 0 : i32
    %c0_i32_0 = arith.constant 0 : i32
    return %arg0, %c0_i32 : i32, i32
  }
}

module attributes {stable_mosaic.version = 14 : i64} {
  func.func @_sim_body(%arg0: memref<1000x128xf32, #tpu.memory_space<vmem>>, %arg1: memref<1024x128xf32, #tpu.memory_space<vmem>>, %arg2: memref<1000x1024xf32, #tpu.memory_space<vmem>>) attributes {dimension_semantics = [], scalar_prefetch = 0 : i64, scratch_operands = 0 : i64, tpu.core_type = #tpu.core_type<tc>} {
    %get3A = arith.constant 0 : index
    %get3A_0 = arith.constant 0 : index
    %get3A_1 = vector.load %arg0[%get3A, %get3A_0] : memref<1000x128xf32, #tpu.memory_space<vmem>>, vector<1000x128xf32>
    %get3A_2 = arith.constant 0 : index
    %get3A_3 = arith.constant 0 : index
    %get3A_4 = vector.load %arg1[%get3A_2, %get3A_3] : memref<1024x128xf32, #tpu.memory_space<vmem>>, vector<1024x128xf32>
    %dot_general3A = arith.constant dense<0.000000e+00> : vector<1000x1024xf32>
    %dot_general3A_5 = tpu.matmul %get3A_1, %get3A_4, %dot_general3A {dimension_numbers = #tpu.dot_dimension_numbers<[1], [1], [0], [0], [0, 0, 1, 0], [], []>, transpose_lhs_hint = false} : vector<1000x128xf32>, vector<1024x128xf32>, vector<1000x1024xf32> -> vector<1000x1024xf32>
    %mul3A = arith.mulf %get3A_1, %get3A_1 : vector<1000x128xf32>
    %reduce_sum3A = arith.constant dense<0.000000e+00> : vector<1000xf32>
    %reduce_sum3A_6 = vector.multi_reduction <add>, %mul3A, %reduce_sum3A [1] : vector<1000x128xf32> to vector<1000xf32>
    %broadcast_in_dim3A = vector.shape_cast %reduce_sum3A_6 : vector<1000xf32> to vector<1000x1xf32>
    %broadcast_in_dim3A_7 = arith.constant 1.000000e+00 : f32
    %broadcast_in_dim3A_8 = vector.broadcast %broadcast_in_dim3A_7 : f32 to vector<1x128xf32>
    %mul3A_9 = arith.mulf %get3A_4, %get3A_4 : vector<1024x128xf32>
    %dot_general3A_10 = arith.constant dense<0.000000e+00> : vector<1x1024xf32>
    %dot_general3A_11 = tpu.matmul %broadcast_in_dim3A_8, %mul3A_9, %dot_general3A_10 {dimension_numbers = #tpu.dot_dimension_numbers<[1], [1], [0], [0], [0, 0, 1, 0], [], []>, transpose_lhs_hint = false} : vector<1x128xf32>, vector<1024x128xf32>, vector<1x1024xf32> -> vector<1x1024xf32>
    %sqrt3A = math.sqrt %broadcast_in_dim3A : vector<1000x1xf32>
    %sqrt3A_12 = math.sqrt %dot_general3A_11 : vector<1x1024xf32>
    %mul3A_13 = vector.broadcast %sqrt3A : vector<1000x1xf32> to vector<1000x1024xf32>
    %mul3A_14 = vector.broadcast %sqrt3A_12 : vector<1x1024xf32> to vector<1000x1024xf32>
    %mul3A_15 = arith.mulf %mul3A_13, %mul3A_14 : vector<1000x1024xf32>
    %max3A = arith.constant 9.99999993E-9 : f32
    %max3A_16 = vector.broadcast %max3A : f32 to vector<1000x1024xf32>
    %max3A_17 = arith.maximumf %mul3A_15, %max3A_16 : vector<1000x1024xf32>
    %div3A = arith.divf %dot_general3A_5, %max3A_17 : vector<1000x1024xf32>
    %add3A = arith.constant 1.000000e+00 : f32
    %add3A_18 = vector.broadcast %add3A : f32 to vector<1000x1024xf32>
    %add3A_19 = arith.addf %div3A, %add3A_18 : vector<1000x1024xf32>
    %mul3A_20 = arith.constant 5.000000e-01 : f32
    %mul3A_21 = vector.broadcast %mul3A_20 : f32 to vector<1000x1024xf32>
    %mul3A_22 = arith.mulf %add3A_19, %mul3A_21 : vector<1000x1024xf32>
    %swap3A = arith.constant 0 : index
    %swap3A_23 = arith.constant 0 : index
    %swap3A_24 = vector.load %arg2[%swap3A, %swap3A_23] : memref<1000x1024xf32, #tpu.memory_space<vmem>>, vector<1000x1024xf32>
    tpu.vector_store %arg2[%swap3A, %swap3A_23], %mul3A_22 {strides = array<i32>} : memref<1000x1024xf32, #tpu.memory_space<vmem>>, vector<1000x1024xf32>,
    return
  }
}

</mosaic_0001>

<sc_bundles>
// kernel: kernel.10.cloned.1.call-start
scs
__scs_entry_jumppad:
0x0: {  	(pc) =	sbr.rel $0x88, $3  }
0x1: {  	(tag) =	ssettag $0x0;
	lr =	simm.s32 $0x1  }
0x2: {  	[smem:$0x3F96] =	sst lr;
	_ =	strace $0xD0000000  }
0x3: {  	_ = 	snop  }
0x4: {  	_ = 	snop  }
0x5: {  	_ = 	snop  }
0x6: {  	_ = 	snop  }
0x7: {  	_ = 	snop  }
__scs_overlays_trampoline_lowered:
0x8: {  	[smem:$0x3FA5] =	sst s0  }
0x9: {  	[smem:$0x3FA6] =	sst s1  }
0xa: {  	[smem:$0x3FA7] =	sst s2  }
0xb: {  	[smem:$0x3FA8] =	sst s3  }
0xc: {  	[smem:$0x3FA9] =	sst s4  }
0xd: {  	[smem:$0x3FAA] =	sst s5  }
0xe: {  	[smem:$0x3FAB] =	sst s6  }
0xf: {  	[smem:$0x3FAC] =	sst s7  }
0x10: {  	[smem:$0x3FAD] =	sst s8  }
0x11: {  	[smem:$0x3FAE] =	sst s9;
	s0 =	simm.s32 @!p0 $0x0  }
0x12: {  	s1 =	sld [smem:$0x3F94];
	s0 =	simm.s32 @p0 $0x1  }
0x13: {  	[smem:$0x3FAF] =	sst s0;
	s0 =	simm.s32 @!p1 $0x0  }
0x14: {  	s2 =	sld [smem:$0x3F93];
	s0 =	simm.s32 @p1 $0x1  }
0x15: {  	[smem:$0x3FB0] =	sst s0;
	s0 =	simm.s32 @!p2 $0x0  }
0x16: {  	s3 =	sld [smem:$0x3FDB];
	s0 =	simm.s32 @p2 $0x1  }
0x17: {  	s4 =	simm.s32 $0x1BF5;
	[smem:$0x3FB2] =	sst s0  }
0x18: {  	s0 =	sld [smem:$0x3F95];
	_ =	swait.ge [sflag:s4], $0x0  }
0x19: {  	s7 =	sld [smem:$0x3F96]  }
0x1a: {  	s8 =	sadd.s32 $0xFFFFE003, lr  }
0x1b: {  	s9 =	sadd.s32 $0xFFFFFEF7, lr;
	s5 =	simm.s32 $0xFFFFFFFF;
	p2 =	slt.u32 s8, $0xFFFFF086  }
0x1c: {  	p1 =	slt.u32 s9, $0xF7A;
	s5 =	simm.s32 @!p2 $0x0  }
0x1d: {  	s5 =	simm.s32 @p1 $0x1;
	p0 =	seq.s32 s7, s2  }
0x1e: {  	s7 =	smul.u32 @!p0 $0xF7A, s2;
	p2 =	seq.s32 @!p0 s5, $0x0  }
0x1f: {  	s9 =	smul.u32 $0xF7A, s1;
	s8 =	simm.s32 @!p0 $0x1BF5;
	p2 =	por !p2, p0  }
0x20: {  	[sflag:s8] =	ssyncset.s32 @!p0 $0xFFFFF086;
	s6 =	sadd.s32 @!p0 s3, s7;
	s7 =	simm.s32 @!p0 $0x108  }
0x21: {  	s3 =	sadd.s32 s3, s9;
	s6 =	sadd.s32 @!p0 $0x88, s6;
	s7 =	simm.s32 @p2 $0x1082  }
0x22: {  	[simem:s7], [sflag:s8] =	dma.local @!p0 [hbm:s6], $0xF7A  }
0x23: {  	s9 =	sor.u32 $0xD0000000, s2;
	s6 =	simm.s32 $0x108;
	_ =	swait.ge @!p0 [sflag:s8], $0x0  }
0x24: {  	s3 =	sadd.s32 $0x88, s3;
	s6 =	simm.s32 @!p1 $0x1082;
	[sflag:s4] =	ssyncset.s32 $0xFFFFF086  }
0x25: {  	[simem:s6], [sflag:s4] =	dma.local [hbm:s3], $0xF7A  }
0x26: {  	[smem:$0x3F96] =	sst s1;
	(tag) =	ssettag s2;
	_ =	strace s9  }
0x27: {  	s1 =	sld [smem:$0x3FA6]  }
0x28: {  	s2 =	sld [smem:$0x3FA7]  }
0x29: {  	s4 =	sld [smem:$0x3FA9]  }
0x2a: {  	p0 =	seq.s32 s5, $0x0;
	s5 =	sld [smem:$0x3FAA]  }
0x2b: {  	s6 =	sld [smem:$0x3FAB]  }
0x2c: {  	s7 =	sld [smem:$0x3FAC]  }
0x2d: {  	s3 =	simm.s32 $0x108;
	s8 =	sld [smem:$0x3FAD]  }
0x2e: {  	s3 =	simm.s32 @!p0 $0x1082;
	s9 =	sld [smem:$0x3FAE]  }
0x2f: {  	lr =	sadd.s32 s0, s3;
	s0 =	sld [smem:$0x3FA5]  }
0x30: {  	s3 =	sld [smem:$0x3FA8]  }
0x31: {  	[smem:$0x3FB1] =	sst s10  }
0x32: {  	s10 =	sld [smem:$0x3FAF];
	_ =	sdelay $0x3  }
0x33: {  	p0 =	seq.s32 s10, $0x1;
	s10 =	sld [smem:$0x3FB1];
	_ =	sdelay $0x3  }
0x34: {  	[smem:$0x3FB1] =	sst s10  }
0x35: {  	s10 =	sld [smem:$0x3FB0];
	_ =	sdelay $0x3  }
0x36: {  	p1 =	seq.s32 s10, $0x1;
	s10 =	sld [smem:$0x3FB1];
	_ =	sdelay $0x3  }
0x37: {  	[smem:$0x3FB1] =	sst s10  }
0x38: {  	s10 =	sld [smem:$0x3FB2]  }
0x39: {  	_ = 	snop;
	(pc) =	sbr.ind lr, $3  }
0x3a: {  	_ = 	snop  }
0x3b: {  	_ = 	snop  }
0x3c: {  	p2 =	seq.s32 s10, $0x1;
	s10 =	sld [smem:$0x3FB1]  }
0x3d: {  	_ =	shalt  }
0x3e: {  	_ =	shalt  }
0x3f: {  	_ =	shalt  }
0x40: {  	_ =	shalt  }
0x41: {  	_ =	shalt  }
0x42: {  	_ =	shalt  }
0x43: {  	_ =	shalt  }
0x44: {  	_ =	shalt  }
0x45: {  	_ =	shalt  }
0x46: {  	_ =	shalt  }
0x47: {  	_ =	shalt  }
0x48: {  	_ =	shalt  }
0x49: {  	_ =	shalt  }
0x4a: {  	_ =	shalt  }
0x4b: {  	_ =	shalt  }
0x4c: {  	_ =	shalt  }
0x4d: {  	_ =	shalt  }
0x4e: {  	_ =	shalt  }
0x4f: {  	_ =	shalt  }
0x50: {  	_ =	shalt  }
0x51: {  	_ =	shalt  }
0x52: {  	_ =	shalt  }
0x53: {  	_ =	shalt  }
0x54: {  	_ =	shalt  }
0x55: {  	_ =	shalt  }
0x56: {  	_ =	shalt  }
0x57: {  	_ =	shalt  }
0x58: {  	_ =	shalt  }
0x59: {  	_ =	shalt  }
0x5a: {  	_ =	shalt  }
0x5b: {  	_ =	shalt  }
0x5c: {  	_ =	shalt  }
0x5d: {  	_ =	shalt  }
0x5e: {  	_ =	shalt  }
0x5f: {  	_ =	shalt  }
0x60: {  	_ =	shalt  }
0x61: {  	_ =	shalt  }
0x62: {  	_ =	shalt  }
0x63: {  	_ =	shalt  }
0x64: {  	_ =	shalt  }
0x65: {  	_ =	shalt  }
0x66: {  	_ =	shalt  }
0x67: {  	_ =	shalt  }
0x68: {  	_ =	shalt  }
0x69: {  	_ =	shalt  }
0x6a: {  	_ =	shalt  }
0x6b: {  	_ =	shalt  }
0x6c: {  	_ =	shalt  }
0x6d: {  	_ =	shalt  }
0x6e: {  	_ =	shalt  }
0x6f: {  	_ =	shalt  }
0x70: {  	_ =	shalt  }
0x71: {  	_ =	shalt  }
0x72: {  	_ =	shalt  }
0x73: {  	_ =	shalt  }
0x74: {  	_ =	shalt  }
0x75: {  	_ =	shalt  }
0x76: {  	_ =	shalt  }
0x77: {  	_ =	shalt  }
0x78: {  	_ =	shalt  }
0x79: {  	_ =	shalt  }
0x7a: {  	_ =	shalt  }
0x7b: {  	_ =	shalt  }
0x7c: {  	_ =	shalt  }
0x7d: {  	_ =	shalt  }
0x7e: {  	_ =	shalt  }
0x7f: {  	_ =	shalt  }
0x80: {  	_ =	shalt  }
0x81: {  	_ =	shalt  }
0x82: {  	_ =	shalt  }
0x83: {  	_ =	shalt  }
0x84: {  	_ =	shalt  }
0x85: {  	_ =	shalt  }
0x86: {  	_ =	shalt  }
0x87: {  	_ =	shalt  }
.Lfunc_end0:
.L_simem_size_0:
called_computation.1_lowered:
.L_overlay_start_0:
0x88: {  	s2 =	sld [smem:$0x3FD9]  }
0x89: {  	s3 =	sld [smem:$0x3FFE];
	_ =	sdelay $0x1  }
0x8a: {  	s1 =	srdreg.scid  }
0x8b: {  	s0 =	sand.u32 $0x1, s1  }
0x8c: {  	s17 =	sshll.u32 s0, $0xA;
	s2 =	sadd.s32 s3, s2  }
0x8d: {  	s2 =	sadd.s32 s2, s17  }
0x8e: {  	[smem:$0x3FBD] =	sst s2  }
0x8f: {  	_ = 	snop  }
0x90: {  	s18 =	sld [smem:$0x3FC3]  }
0x91: {  	s4 =	sld [smem:$0x3FD0];
	(tm) =	ssettm $0x1  }
0x92: {  	s19 =	sld [smem:$0x3FFB];
	_ =	sdelay $0x3  }
0x93: {  	_ =	strace s19  }
0x94: {  	s2 =	sld [smem:$0x3FFC];
	_ =	sdelay $0x3  }
0x95: {  	_ =	strace s2  }
0x96: {  	s2 =	sld [smem:$0x3FFD];
	_ =	sdelay $0x3  }
0x97: {  	_ =	strace s2  }
0x98: {  	_ =	strace $0x8FFFFFFF  }
0x99: {  	s20 =	sld [smem:$0x3FDB];
	_ =	sdelay $0x1  }
0x9a: {  	s5 =	simm.s32 $_scs_section_size  }
0x9b: {  	s6 =	simm.s32 $_size__tile_overlayer_lowered;
	s7 =	simm.s32 $_tile_overlayer_lowered  }
0x9c: {  	s8 =	simm.s32 $0x1BFF;
	s21 =	sshll.u32 s7, $0x1;
	s5 =	sadd.s32 s5, s20  }
0x9d: {  	s22 =	simm.s32 $0x0;
	s6 =	sshll.u32 s6, $0x1;
	s7 =	sadd.s32 s21, s5  }
0x9e: {  	[timem:s22], [sflag:s8] =	dma.local [hbm:s7], s6  }
0x9f: {  	_ =	swait.ge [sflag:s8], s6  }
0xa0: {  	s6 =	ssub.s32 $0x0, s6;
	[sflag:s8] =	ssyncset.done $0x0  }
0xa1: {  	[sflag:s8] =	ssyncadd.s32 s6;
	_ =	sdelay $0x1  }
0xa2: {  	s23 =	simm.s32 $0x1B8B  }
0xa3: {  	_ =	swait.ge [sflag:s23], $0x1  }
0xa4: {  	[sflag:s23] =	ssyncset.done $0x0  }
0xa5: {  	[sflag:s23] =	ssyncadd.s32 $0xFFFFFFFF  }
0xa6: {  	s6 =	sld [smem:$0x0]  }
0xa7: {  	s7 =	sand.u32 $0xFFFFFFFE, s1  }
0xa8: {  	p0 =	sne.s32 s1, s7  }
0xa9: {  	s7 =	sshll.u32 @p0 s7, $0xE  }
0xaa: {  	s7 =	sadd.s32 @p0 $0x11B8D, s7;
	s8 =	sshll.u32 @p0 s6, $0x11  }
0xab: {  	s7 =	sor.u32 @p0 s8, s7  }
0xac: {  	[sflag:s7] =	ssyncadd.remote.s32 @p0 $0x1;
	_ =	sdelay $0x1  }
0xad: {  	s7 =	simm.s32 @p0 $0x1B8D  }
0xae: {  	_ =	swait.eq @p0 [sflag:s7], $0x1  }
0xaf: {  	[sflag:s7] =	ssyncadd.s32 @p0 $0xFFFFFFFF  }
0xb0: {  	s8 =	sshll.u32 @!p0 s1, $0xE  }
0xb1: {  	s8 =	sor.u32 @!p0 $0x4000, s8;
	s7 =	simm.s32 @!p0 $0x1B8D  }
0xb2: {  	s6 =	sshll.u32 @!p0 s6, $0x11;
	s8 =	sadd.s32 @!p0 $0x11B8D, s8;
	_ =	swait.eq @!p0 [sflag:s7], $0x1  }
0xb3: {  	s6 =	sor.u32 @!p0 s6, s8;
	[sflag:s7] =	ssyncadd.s32 @!p0 $0xFFFFFFFF  }
0xb4: {  	s25 =	simm.s32 $0x1B8E;
	s24 =	sld [smem:$0x3FFE];
	[sflag:s6] =	ssyncadd.remote.s32 @!p0 $0x1  }
0xb5: {  	s26 =	simm.s32 $execute0_lowered;
	[smem:$0x3FD2] =	sst s25  }
0xb6: {  	s7 =	sshll.u32 s26, $0x1;
	_ =	strace $0x80000049;
	[dreg:$0x1] =	wrdreg $0xFFFFFFFF  }
0xb7: {  	s28 =	simm.s32 $_size_execute0_lowered;
	s5 =	sadd.s32 s5, s7;
	[dreg:$0x0] =	wrdreg $0x0  }
0xb8: {  	s7 =	sshll.u32 s28, $0x1;
	[dreg:$0x2] =	wrdreg s5  }
0xb9: {  	[dreg:$0x3] =	wrdreg s7  }
0xba: {  	[dreg:$0x4] =	wrdreg $0xC0  }
0xbb: {  	_ =	task [dreg:s22], $0x5FFFF  }
0xbc: {  	[dreg:$0x1] =	wrdreg $0xFFFFFFFF  }
0xbd: {  	[dreg:$0x0] =	wrdreg $0x60  }
0xbe: {  	[dreg:$0x2] =	wrdreg s4  }
0xbf: {  	[dreg:$0x3] =	wrdreg s18  }
0xc0: {  	[dreg:$0x4] =	wrdreg s24  }
0xc1: {  	[dreg:$0x5] =	wrdreg $0xA  }
0xc2: {  	_ =	task.clear_ibuf [dreg:s22], $0x6FFFF;
	_ =	strace $0x90000049  }
0xc3: {  	s29 =	simm.s32 $0xA;
	_ =	strace $0x8000004B  }
0xc4: {  	_ =	swait.ge [sflag:s29], $0x1  }
0xc5: {  	[sflag:s29] =	ssyncadd.s32 $0xFFFFFFFF  }
0xc6: {  	_ =	strace $0x9000004B  }
0xc7: {  	_ =	sfence  }
0xc8: {  	s30 =	sld [smem:$0x0];
	_ =	sdelay $0x2  }
0xc9: {  	s31 =	sshll.u32 s1, $0xD;
	s1 =	sshrl.u32 s1, $0x2  }
0xca: {  	s4 =	sand.u32 $0x4000, s31;
	s1 =	sadd.s32 s1, s30  }
0xcb: {  	s0 =	sor.u32 s4, s0;
	s1 =	sshll.u32 s1, $0x11  }
0xcc: {  	s0 =	sor.u32 s1, s0  }
0xcd: {  	s0 =	sadd.s32 $0x8F2B, s0  }
0xce: {  	[sflag:s0] =	ssyncadd.remote.s32 $0x1  }
0xcf: {  	_ =	sfence.sel $0xFFFF  }
0xd0: {  	[dreg:$0x0] =	wrdreg $0xFFFFFFFF;
	(pc) =	sbr.abs _section_cstart, $3  }
0xd1: {  	[dreg:$0x1] =	wrdreg $0xFFFFFFFF  }
0xd2: {  	_ =	task.clear_ibuf [dreg:s22], $0x2FFFF;
	_ =	strace $0x9FFFFFFF  }
0xd3: {  	(tm) =	ssettm $0x7FFFFFFF  }
tec
execute0_lowered:
.L_overlay_start_1:
0x0: {  	(tag) =	ssettag $0x1  }
0x1: {  	s4 =	rddreg [dreg:$0x0];
	s1 =	srdreg.scid  }
0x2: {  	s2 =	rddreg [dreg:$0x1];
	s0 =	stileid.u32;
	s21 =	sand.u32 $0x1, s1  }
0x3: {  	s9 =	rddreg [dreg:$0x2];
	s5 =	sshll.u32 s0, $0xB;
	s6 =	sshll.u32 s21, $0xA  }
0x4: {  	s3 =	simm.s32 $0x0;
	s1 =	rddreg [dreg:$0x3];
	s10 =	sor.u32 s6, s5  }
0x5: {  	[smem:$0x7FF] =	sst s3;
	s5 =	sshrl.u32 s10, $0x3  }
0x6: {  	_ =	strace $0x8000004A;
	s5 =	sadd.s32 s4, s5;
	s4 =	simm.s32 $0x2  }
0x7: {  	[tilespmem:s3], [sflag:$0x2] =	stream.linear.gather [hbm4b:s5+s3], $0x400, $0x38;
	[tilespmem:$0x4400] =	vst v63  }
0x8: {  	_ =	swait.ge [sflag:s4], $0x400  }
0x9: {  	s7 =	simm.s32 $0x400;
	[sflag:s4] =	ssyncset.done $0x0  }
0xa: {  	s8 =	simm.s32 $0x1;
	s6 =	simm.s32 $0x80;
	[sflag:s4] =	ssyncadd.s32 $0xFFFFFC00  }
0xb: {  	[tilespmem:s7], [sflag:$0x1] =	stream.indirect.gather [hbm4b:s2+s6], $0x80, s3, s6, $0xb8;
	[tilespmem:$0x4400] =	vst v63  }
0xc: {  	s10 =	sshll.u32 s10, $0x4;
	_ =	swait.ge [sflag:s8], $0x4000  }
0xd: {  	s22 =	sadd.s32 s10, s9;
	[sflag:s8] =	ssyncset.done $0x0  }
0xe: {  	s9 =	sadd.s32 $0x82E00, s22;
	[sflag:s8] =	ssyncadd.s32 $0xFFFFC000  }
0xf: {  	[hbm4b:s9+s3] =	stream.linear.scatter [tilespmem:s7], [sflag:$0x2], $0x4000, $0x38;
	[tilespmem:$0x4400] =	vst v63  }
0x10: {  	_ =	swait.ge [sflag:s4], $0x4000  }
0x11: {  	[sflag:s4] =	ssyncset.done $0x0  }
0x12: {  	[sflag:s4] =	ssyncadd.s32 $0xFFFFC000  }
0x13: {  	[tilespmem:s7], [sflag:$0x1] =	stream.indirect.gather [hbm4b:s2+s6], $0x80, s6, s6, $0xb8;
	[tilespmem:$0x4400] =	vst v63  }
0x14: {  	_ =	swait.ge [sflag:s8], $0x4000  }
0x15: {  	[sflag:s8] =	ssyncset.done $0x0  }
0x16: {  	s10 =	sadd.s32 $0x83600, s22;
	[sflag:s8] =	ssyncadd.s32 $0xFFFFC000  }
0x17: {  	[hbm4b:s10+s3] =	stream.linear.scatter [tilespmem:s7], [sflag:$0x2], $0x4000, $0x38;
	[tilespmem:$0x4400] =	vst v63  }
0x18: {  	_ =	swait.ge [sflag:s4], $0x4000  }
0x19: {  	[sflag:s4] =	ssyncset.done $0x0  }
0x1a: {  	s11 =	simm.s32 $0x100;
	[sflag:s4] =	ssyncadd.s32 $0xFFFFC000  }
0x1b: {  	[tilespmem:s7], [sflag:$0x1] =	stream.indirect.gather [hbm4b:s2+s6], $0x80, s11, s6, $0xb8;
	[tilespmem:$0x4400] =	vst v63  }
0x1c: {  	_ =	swait.ge [sflag:s8], $0x4000  }
0x1d: {  	[sflag:s8] =	ssyncset.done $0x0  }
0x1e: {  	s12 =	sadd.s32 $0x83E00, s22;
	[sflag:s8] =	ssyncadd.s32 $0xFFFFC000  }
0x1f: {  	[hbm4b:s12+s3] =	stream.linear.scatter [tilespmem:s7], [sflag:$0x2], $0x4000, $0x38;
	[tilespmem:$0x4400] =	vst v63  }
0x20: {  	_ =	swait.ge [sflag:s4], $0x4000  }
0x21: {  	[sflag:s4] =	ssyncset.done $0x0  }
0x22: {  	s13 =	simm.s32 $0x180;
	[sflag:s4] =	ssyncadd.s32 $0xFFFFC000  }
0x23: {  	[tilespmem:s7], [sflag:$0x1] =	stream.indirect.gather [hbm4b:s2+s6], $0x80, s13, s6, $0xb8;
	[tilespmem:$0x4400] =	vst v63  }
0x24: {  	_ =	swait.ge [sflag:s8], $0x4000  }
0x25: {  	[sflag:s8] =	ssyncset.done $0x0  }
0x26: {  	s14 =	sadd.s32 $0x84600, s22;
	[sflag:s8] =	ssyncadd.s32 $0xFFFFC000  }
0x27: {  	[hbm4b:s14+s3] =	stream.linear.scatter [tilespmem:s7], [sflag:$0x2], $0x4000, $0x38;
	[tilespmem:$0x4400] =	vst v63  }
0x28: {  	_ =	swait.ge [sflag:s4], $0x4000  }
0x29: {  	[sflag:s4] =	ssyncset.done $0x0  }
0x2a: {  	s15 =	simm.s32 $0x200;
	[sflag:s4] =	ssyncadd.s32 $0xFFFFC000  }
0x2b: {  	[tilespmem:s7], [sflag:$0x1] =	stream.indirect.gather [hbm4b:s2+s6], $0x80, s15, s6, $0xb8;
	[tilespmem:$0x4400] =	vst v63  }
0x2c: {  	_ =	swait.ge [sflag:s8], $0x4000  }
0x2d: {  	[sflag:s8] =	ssyncset.done $0x0  }
0x2e: {  	s16 =	sadd.s32 $0x84E00, s22;
	[sflag:s8] =	ssyncadd.s32 $0xFFFFC000  }
0x2f: {  	[hbm4b:s16+s3] =	stream.linear.scatter [tilespmem:s7], [sflag:$0x2], $0x4000, $0x38;
	[tilespmem:$0x4400] =	vst v63  }
0x30: {  	_ =	swait.ge [sflag:s4], $0x4000  }
0x31: {  	[sflag:s4] =	ssyncset.done $0x0  }
0x32: {  	s17 =	simm.s32 $0x280;
	[sflag:s4] =	ssyncadd.s32 $0xFFFFC000  }
0x33: {  	[tilespmem:s7], [sflag:$0x1] =	stream.indirect.gather [hbm4b:s2+s6], $0x80, s17, s6, $0xb8;
	[tilespmem:$0x4400] =	vst v63  }
0x34: {  	_ =	swait.ge [sflag:s8], $0x4000  }
0x35: {  	[sflag:s8] =	ssyncset.done $0x0  }
0x36: {  	s18 =	sadd.s32 $0x85600, s22;
	[sflag:s8] =	ssyncadd.s32 $0xFFFFC000  }
0x37: {  	[hbm4b:s18+s3] =	stream.linear.scatter [tilespmem:s7], [sflag:$0x2], $0x4000, $0x38;
	[tilespmem:$0x4400] =	vst v63  }
0x38: {  	_ =	swait.ge [sflag:s4], $0x4000  }
0x39: {  	[sflag:s4] =	ssyncset.done $0x0  }
0x3a: {  	s19 =	simm.s32 $0x300;
	[sflag:s4] =	ssyncadd.s32 $0xFFFFC000  }
0x3b: {  	[tilespmem:s7], [sflag:$0x1] =	stream.indirect.gather [hbm4b:s2+s6], $0x80, s19, s6, $0xb8;
	[tilespmem:$0x4400] =	vst v63  }
0x3c: {  	_ =	swait.ge [sflag:s8], $0x4000  }
0x3d: {  	[sflag:s8] =	ssyncset.done $0x0  }
0x3e: {  	s23 =	ssub.s32 $0x2, s21;
	s20 =	sadd.s32 $0x85E00, s22;
	[sflag:s8] =	ssyncadd.s32 $0xFFFFC000  }
0x3f: {  	[hbm4b:s20+s3] =	stream.linear.scatter [tilespmem:s7], [sflag:$0x2], $0x4000, $0x38;
	[tilespmem:$0x4400] =	vst v63  }
0x40: {  	s24 =	sshrl.u32 s23, $0x1;
	_ =	swait.ge [sflag:s4], $0x4000  }
0x41: {  	s23 =	ssub.s32 s23, s24;
	[sflag:s4] =	ssyncset.done $0x0  }
0x42: {  	s21 =	simm.s32 $0x380;
	s23 =	smax.u32 s23, $0x1;
	[sflag:s4] =	ssyncadd.s32 $0xFFFFC000  }
0x43: {  	[tilespmem:s7], [sflag:$0x1] =	stream.indirect.gather [hbm4b:s2+s6], $0x80, s21, s6, $0xb8;
	[tilespmem:$0x4400] =	vst v63  }
0x44: {  	p0 =	sne.s32 s23, $0x1;
	_ =	swait.ge [sflag:s8], $0x4000  }
.Ltmp0:
0x45: {  	[sflag:s8] =	ssyncset.done $0x0;
	(pc) =	sbr.rel @!p0 .LBB2_2-.Ltmp0, $4  }
0x46: {  	s22 =	sadd.s32 $0x86600, s22;
	[sflag:s8] =	ssyncadd.s32 $0xFFFFC000  }
0x47: {  	[hbm4b:s22+s3] =	stream.linear.scatter [tilespmem:s7], [sflag:$0x2], $0x4000, $0x38;
	[tilespmem:$0x4400] =	vst v63  }
0x48: {  	_ =	swait.ge [sflag:s4], $0x4000  }
0x49: {  	s23 =	sadd.s32 $0xFFFFFFFF, s23;
	[sflag:s4] =	ssyncset.done $0x0  }
.LBB2_1:
0x4a: {  	p0 =	sne.s32 s23, $0x1;
	s23 =	sadd.s32 $0xFFFFFFFF, s23;
	[sflag:s4] =	ssyncadd.s32 $0xFFFFC000  }
0x4b: {  	[tilespmem:s3], [sflag:$0x2] =	stream.linear.gather [hbm4b:s5+s3], $0x400, $0x38;
	[tilespmem:$0x4400] =	vst v63  }
0x4c: {  	_ =	swait.ge [sflag:s4], $0x400  }
0x4d: {  	[sflag:s4] =	ssyncset.done $0x0  }
0x4e: {  	[sflag:s4] =	ssyncadd.s32 $0xFFFFFC00  }
0x4f: {  	[tilespmem:s7], [sflag:$0x1] =	stream.indirect.gather [hbm4b:s2+s6], $0x80, s3, s6, $0xb8;
	[tilespmem:$0x4400] =	vst v63  }
0x50: {  	_ =	swait.ge [sflag:s8], $0x4000  }
0x51: {  	[sflag:s8] =	ssyncset.done $0x0  }
0x52: {  	[sflag:s8] =	ssyncadd.s32 $0xFFFFC000  }
0x53: {  	[hbm4b:s9+s3] =	stream.linear.scatter [tilespmem:s7], [sflag:$0x2], $0x4000, $0x38;
	[tilespmem:$0x4400] =	vst v63  }
0x54: {  	_ =	swait.ge [sflag:s4], $0x4000  }
0x55: {  	[sflag:s4] =	ssyncset.done $0x0  }
0x56: {  	[sflag:s4] =	ssyncadd.s32 $0xFFFFC000  }
0x57: {  	[tilespmem:s7], [sflag:$0x1] =	stream.indirect.gather [hbm4b:s2+s6], $0x80, s6, s6, $0xb8;
	[tilespmem:$0x4400] =	vst v63  }
0x58: {  	_ =	swait.ge [sflag:s8], $0x4000  }
0x59: {  	[sflag:s8] =	ssyncset.done $0x0  }
0x5a: {  	[sflag:s8] =	ssyncadd.s32 $0xFFFFC000  }
0x5b: {  	[hbm4b:s10+s3] =	stream.linear.scatter [tilespmem:s7], [sflag:$0x2], $0x4000, $0x38;
	[tilespmem:$0x4400] =	vst v63  }
0x5c: {  	_ =	swait.ge [sflag:s4], $0x4000  }
0x5d: {  	[sflag:s4] =	ssyncset.done $0x0  }
0x5e: {  	[sflag:s4] =	ssyncadd.s32 $0xFFFFC000  }
0x5f: {  	[tilespmem:s7], [sflag:$0x1] =	stream.indirect.gather [hbm4b:s2+s6], $0x80, s11, s6, $0xb8;
	[tilespmem:$0x4400] =	vst v63  }
0x60: {  	_ =	swait.ge [sflag:s8], $0x4000  }
0x61: {  	[sflag:s8] =	ssyncset.done $0x0  }
0x62: {  	[sflag:s8] =	ssyncadd.s32 $0xFFFFC000  }
0x63: {  	[hbm4b:s12+s3] =	stream.linear.scatter [tilespmem:s7], [sflag:$0x2], $0x4000, $0x38;
	[tilespmem:$0x4400] =	vst v63  }
0x64: {  	_ =	swait.ge [sflag:s4], $0x4000  }
0x65: {  	[sflag:s4] =	ssyncset.done $0x0  }
0x66: {  	[sflag:s4] =	ssyncadd.s32 $0xFFFFC000  }
0x67: {  	[tilespmem:s7], [sflag:$0x1] =	stream.indirect.gather [hbm4b:s2+s6], $0x80, s13, s6, $0xb8;
	[tilespmem:$0x4400] =	vst v63  }
0x68: {  	_ =	swait.ge [sflag:s8], $0x4000  }
0x69: {  	[sflag:s8] =	ssyncset.done $0x0  }
0x6a: {  	[sflag:s8] =	ssyncadd.s32 $0xFFFFC000  }
0x6b: {  	[hbm4b:s14+s3] =	stream.linear.scatter [tilespmem:s7], [sflag:$0x2], $0x4000, $0x38;
	[tilespmem:$0x4400] =	vst v63  }
0x6c: {  	_ =	swait.ge [sflag:s4], $0x4000  }
0x6d: {  	[sflag:s4] =	ssyncset.done $0x0  }
0x6e: {  	[sflag:s4] =	ssyncadd.s32 $0xFFFFC000  }
0x6f: {  	[tilespmem:s7], [sflag:$0x1] =	stream.indirect.gather [hbm4b:s2+s6], $0x80, s15, s6, $0xb8;
	[tilespmem:$0x4400] =	vst v63  }
0x70: {  	_ =	swait.ge [sflag:s8], $0x4000  }
0x71: {  	[sflag:s8] =	ssyncset.done $0x0  }
0x72: {  	[sflag:s8] =	ssyncadd.s32 $0xFFFFC000  }
0x73: {  	[hbm4b:s16+s3] =	stream.linear.scatter [tilespmem:s7], [sflag:$0x2], $0x4000, $0x38;
	[tilespmem:$0x4400] =	vst v63  }
0x74: {  	_ =	swait.ge [sflag:s4], $0x4000  }
0x75: {  	[sflag:s4] =	ssyncset.done $0x0  }
0x76: {  	[sflag:s4] =	ssyncadd.s32 $0xFFFFC000  }
0x77: {  	[tilespmem:s7], [sflag:$0x1] =	stream.indirect.gather [hbm4b:s2+s6], $0x80, s17, s6, $0xb8;
	[tilespmem:$0x4400] =	vst v63  }
0x78: {  	_ =	swait.ge [sflag:s8], $0x4000  }
0x79: {  	[sflag:s8] =	ssyncset.done $0x0  }
0x7a: {  	[sflag:s8] =	ssyncadd.s32 $0xFFFFC000  }
0x7b: {  	[hbm4b:s18+s3] =	stream.linear.scatter [tilespmem:s7], [sflag:$0x2], $0x4000, $0x38;
	[tilespmem:$0x4400] =	vst v63  }
0x7c: {  	_ =	swait.ge [sflag:s4], $0x4000  }
0x7d: {  	[sflag:s4] =	ssyncset.done $0x0  }
0x7e: {  	[sflag:s4] =	ssyncadd.s32 $0xFFFFC000  }
0x7f: {  	[tilespmem:s7], [sflag:$0x1] =	stream.indirect.gather [hbm4b:s2+s6], $0x80, s19, s6, $0xb8;
	[tilespmem:$0x4400] =	vst v63  }
0x80: {  	_ =	swait.ge [sflag:s8], $0x4000  }
0x81: {  	[sflag:s8] =	ssyncset.done $0x0  }
0x82: {  	[sflag:s8] =	ssyncadd.s32 $0xFFFFC000  }
0x83: {  	[hbm4b:s20+s3] =	stream.linear.scatter [tilespmem:s7], [sflag:$0x2], $0x4000, $0x38;
	[tilespmem:$0x4400] =	vst v63  }
0x84: {  	_ =	swait.ge [sflag:s4], $0x4000  }
0x85: {  	[sflag:s4] =	ssyncset.done $0x0  }
0x86: {  	[sflag:s4] =	ssyncadd.s32 $0xFFFFC000  }
0x87: {  	[tilespmem:s7], [sflag:$0x1] =	stream.indirect.gather [hbm4b:s2+s6], $0x80, s21, s6, $0xb8;
	[tilespmem:$0x4400] =	vst v63  }
0x88: {  	_ =	swait.ge [sflag:s8], $0x4000  }
.Ltmp1:
0x89: {  	[sflag:s8] =	ssyncset.done $0x0;
	(pc) =	sbr.rel @p0 .LBB2_1-.Ltmp1, $4  }
0x8a: {  	[sflag:s8] =	ssyncadd.s32 $0xFFFFC000  }
0x8b: {  	[hbm4b:s22+s3] =	stream.linear.scatter [tilespmem:s7], [sflag:$0x2], $0x4000, $0x38;
	[tilespmem:$0x4400] =	vst v63  }
0x8c: {  	_ =	swait.ge [sflag:s4], $0x4000  }
0x8d: {  	[sflag:s4] =	ssyncset.done $0x0  }
.LBB2_2:
0x8e: {  	[sflag:s4] =	ssyncadd.s32 $0xFFFFC000  }
0x8f: {  	_ =	sfence.sel $0x180000  }
0x90: {  	[bflag:$0x0] =	sbarrier.arrive $0xFFFF  }
0x91: {  	p0 =	sne.s32 s0, $0x0;
	_ =	strace $0x9000004A  }
0x92: {  	s0 =	sadd.s32 @!p0 $0x100000, s1;
	[bflag:$0x2] =	sbarrier.arrive $0xFFFF  }
0x93: {  	[sflag:s0] =	ssyncadd.tile.s32 @!p0 $0x1;
	_ =	shalt  }
.Lfunc_end2:
_tile_overlayer_lowered:
.L_overlay_start_2:
0x94: {  	(tag) =	ssettag $0x2  }
0x95: {  	s0 =	rddreg [dreg:$0x0];
	s2 =	stileid.u32  }
0x96: {  	s1 =	rddreg [dreg:$0x1];
	p0 =	sne.s32 s2, $0x0  }
0x97: {  	s3 =	rddreg [dreg:$0x2];
	[bflag:$0x3] =	sbarrier.arrive $0xFFFF;
	s2 =	simm.s32 @!p0 $0x1C02  }
0x98: {  	[timem:s3], [sflag:s2] =	dma.local @!p0 [hbm:s0], s1  }
0x99: {  	s0 =	simm.s32 @!p0 $0x2  }
0x9a: {  	_ =	swait.ge @!p0 [sflag:s0], s1  }
0x9b: {  	s1 =	ssub.s32 @!p0 $0x0, s1;
	[sflag:s0] =	ssyncset.done @!p0 $0x0  }
0x9c: {  	[sflag:s0] =	ssyncadd.s32 @!p0 s1  }
0x9d: {  	[bflag:$0x3] =	sbarrier.arrive $0xFFFF  }
0x9e: {  	_ =	shalt  }

// kernel: kernel.7.cloned.1.call-start
scs
__scs_entry_jumppad:
0x0: {  	(pc) =	sbr.rel $0x88, $3  }
0x1: {  	(tag) =	ssettag $0x0;
	lr =	simm.s32 $0x1  }
0x2: {  	[smem:$0x3F96] =	sst lr;
	_ =	strace $0xD0000000  }
0x3: {  	_ = 	snop  }
0x4: {  	_ = 	snop  }
0x5: {  	_ = 	snop  }
0x6: {  	_ = 	snop  }
0x7: {  	_ = 	snop  }
__scs_overlays_trampoline_lowered:
0x8: {  	[smem:$0x3FA5] =	sst s0  }
0x9: {  	[smem:$0x3FA6] =	sst s1  }
0xa: {  	[smem:$0x3FA7] =	sst s2  }
0xb: {  	[smem:$0x3FA8] =	sst s3  }
0xc: {  	[smem:$0x3FA9] =	sst s4  }
0xd: {  	[smem:$0x3FAA] =	sst s5  }
0xe: {  	[smem:$0x3FAB] =	sst s6  }
0xf: {  	[smem:$0x3FAC] =	sst s7  }
0x10: {  	[smem:$0x3FAD] =	sst s8  }
0x11: {  	[smem:$0x3FAE] =	sst s9;
	s0 =	simm.s32 @!p0 $0x0  }
0x12: {  	s1 =	sld [smem:$0x3F94];
	s0 =	simm.s32 @p0 $0x1  }
0x13: {  	[smem:$0x3FAF] =	sst s0;
	s0 =	simm.s32 @!p1 $0x0  }
0x14: {  	s2 =	sld [smem:$0x3F93];
	s0 =	simm.s32 @p1 $0x1  }
0x15: {  	[smem:$0x3FB0] =	sst s0;
	s0 =	simm.s32 @!p2 $0x0  }
0x16: {  	s3 =	sld [smem:$0x3FDB];
	s0 =	simm.s32 @p2 $0x1  }
0x17: {  	s4 =	simm.s32 $0x1BF5;
	[smem:$0x3FB2] =	sst s0  }
0x18: {  	s0 =	sld [smem:$0x3F95];
	_ =	swait.ge [sflag:s4], $0x0  }
0x19: {  	s7 =	sld [smem:$0x3F96]  }
0x1a: {  	s8 =	sadd.s32 $0xFFFFE003, lr  }
0x1b: {  	s9 =	sadd.s32 $0xFFFFFEF7, lr;
	s5 =	simm.s32 $0xFFFFFFFF;
	p2 =	slt.u32 s8, $0xFFFFF086  }
0x1c: {  	p1 =	slt.u32 s9, $0xF7A;
	s5 =	simm.s32 @!p2 $0x0  }
0x1d: {  	s5 =	simm.s32 @p1 $0x1;
	p0 =	seq.s32 s7, s2  }
0x1e: {  	s7 =	smul.u32 @!p0 $0xF7A, s2;
	p2 =	seq.s32 @!p0 s5, $0x0  }
0x1f: {  	s9 =	smul.u32 $0xF7A, s1;
	s8 =	simm.s32 @!p0 $0x1BF5;
	p2 =	por !p2, p0  }
0x20: {  	[sflag:s8] =	ssyncset.s32 @!p0 $0xFFFFF086;
	s6 =	sadd.s32 @!p0 s3, s7;
	s7 =	simm.s32 @!p0 $0x108  }
0x21: {  	s3 =	sadd.s32 s3, s9;
	s6 =	sadd.s32 @!p0 $0x88, s6;
	s7 =	simm.s32 @p2 $0x1082  }
0x22: {  	[simem:s7], [sflag:s8] =	dma.local @!p0 [hbm:s6], $0xF7A  }
0x23: {  	s9 =	sor.u32 $0xD0000000, s2;
	s6 =	simm.s32 $0x108;
	_ =	swait.ge @!p0 [sflag:s8], $0x0  }
0x24: {  	s3 =	sadd.s32 $0x88, s3;
	s6 =	simm.s32 @!p1 $0x1082;
	[sflag:s4] =	ssyncset.s32 $0xFFFFF086  }
0x25: {  	[simem:s6], [sflag:s4] =	dma.local [hbm:s3], $0xF7A  }
0x26: {  	[smem:$0x3F96] =	sst s1;
	(tag) =	ssettag s2;
	_ =	strace s9  }
0x27: {  	s1 =	sld [smem:$0x3FA6]  }
0x28: {  	s2 =	sld [smem:$0x3FA7]  }
0x29: {  	s4 =	sld [smem:$0x3FA9]  }
0x2a: {  	p0 =	seq.s32 s5, $0x0;
	s5 =	sld [smem:$0x3FAA]  }
0x2b: {  	s6 =	sld [smem:$0x3FAB]  }
0x2c: {  	s7 =	sld [smem:$0x3FAC]  }
0x2d: {  	s3 =	simm.s32 $0x108;
	s8 =	sld [smem:$0x3FAD]  }
0x2e: {  	s3 =	simm.s32 @!p0 $0x1082;
	s9 =	sld [smem:$0x3FAE]  }
0x2f: {  	lr =	sadd.s32 s0, s3;
	s0 =	sld [smem:$0x3FA5]  }
0x30: {  	s3 =	sld [smem:$0x3FA8]  }
0x31: {  	[smem:$0x3FB1] =	sst s10  }
0x32: {  	s10 =	sld [smem:$0x3FAF];
	_ =	sdelay $0x3  }
0x33: {  	p0 =	seq.s32 s10, $0x1;
	s10 =	sld [smem:$0x3FB1];
	_ =	sdelay $0x3  }
0x34: {  	[smem:$0x3FB1] =	sst s10  }
0x35: {  	s10 =	sld [smem:$0x3FB0];
	_ =	sdelay $0x3  }
0x36: {  	p1 =	seq.s32 s10, $0x1;
	s10 =	sld [smem:$0x3FB1];
	_ =	sdelay $0x3  }
0x37: {  	[smem:$0x3FB1] =	sst s10  }
0x38: {  	s10 =	sld [smem:$0x3FB2]  }
0x39: {  	_ = 	snop;
	(pc) =	sbr.ind lr, $3  }
0x3a: {  	_ = 	snop  }
0x3b: {  	_ = 	snop  }
0x3c: {  	p2 =	seq.s32 s10, $0x1;
	s10 =	sld [smem:$0x3FB1]  }
0x3d: {  	_ =	shalt  }
0x3e: {  	_ =	shalt  }
0x3f: {  	_ =	shalt  }
0x40: {  	_ =	shalt  }
0x41: {  	_ =	shalt  }
0x42: {  	_ =	shalt  }
0x43: {  	_ =	shalt  }
0x44: {  	_ =	shalt  }
0x45: {  	_ =	shalt  }
0x46: {  	_ =	shalt  }
0x47: {  	_ =	shalt  }
0x48: {  	_ =	shalt  }
0x49: {  	_ =	shalt  }
0x4a: {  	_ =	shalt  }
0x4b: {  	_ =	shalt  }
0x4c: {  	_ =	shalt  }
0x4d: {  	_ =	shalt  }
0x4e: {  	_ =	shalt  }
0x4f: {  	_ =	shalt  }
0x50: {  	_ =	shalt  }
0x51: {  	_ =	shalt  }
0x52: {  	_ =	shalt  }
0x53: {  	_ =	shalt  }
0x54: {  	_ =	shalt  }
0x55: {  	_ =	shalt  }
0x56: {  	_ =	shalt  }
0x57: {  	_ =	shalt  }
0x58: {  	_ =	shalt  }
0x59: {  	_ =	shalt  }
0x5a: {  	_ =	shalt  }
0x5b: {  	_ =	shalt  }
0x5c: {  	_ =	shalt  }
0x5d: {  	_ =	shalt  }
0x5e: {  	_ =	shalt  }
0x5f: {  	_ =	shalt  }
0x60: {  	_ =	shalt  }
0x61: {  	_ =	shalt  }
0x62: {  	_ =	shalt  }
0x63: {  	_ =	shalt  }
0x64: {  	_ =	shalt  }
0x65: {  	_ =	shalt  }
0x66: {  	_ =	shalt  }
0x67: {  	_ =	shalt  }
0x68: {  	_ =	shalt  }
0x69: {  	_ =	shalt  }
0x6a: {  	_ =	shalt  }
0x6b: {  	_ =	shalt  }
0x6c: {  	_ =	shalt  }
0x6d: {  	_ =	shalt  }
0x6e: {  	_ =	shalt  }
0x6f: {  	_ =	shalt  }
0x70: {  	_ =	shalt  }
0x71: {  	_ =	shalt  }
0x72: {  	_ =	shalt  }
0x73: {  	_ =	shalt  }
0x74: {  	_ =	shalt  }
0x75: {  	_ =	shalt  }
0x76: {  	_ =	shalt  }
0x77: {  	_ =	shalt  }
0x78: {  	_ =	shalt  }
0x79: {  	_ =	shalt  }
0x7a: {  	_ =	shalt  }
0x7b: {  	_ =	shalt  }
0x7c: {  	_ =	shalt  }
0x7d: {  	_ =	shalt  }
0x7e: {  	_ =	shalt  }
0x7f: {  	_ =	shalt  }
0x80: {  	_ =	shalt  }
0x81: {  	_ =	shalt  }
0x82: {  	_ =	shalt  }
0x83: {  	_ =	shalt  }
0x84: {  	_ =	shalt  }
0x85: {  	_ =	shalt  }
0x86: {  	_ =	shalt  }
0x87: {  	_ =	shalt  }
.Lfunc_end0:
.L_simem_size_0:
called_computation_lowered:
.L_overlay_start_0:
0x88: {  	s2 =	sld [smem:$0x3FD9]  }
0x89: {  	s3 =	sld [smem:$0x3FFE];
	_ =	sdelay $0x1  }
0x8a: {  	s1 =	srdreg.scid  }
0x8b: {  	s0 =	sand.u32 $0x1, s1  }
0x8c: {  	s17 =	sshll.u32 s0, $0xA;
	s2 =	sadd.s32 s3, s2  }
0x8d: {  	s2 =	sadd.s32 s2, s17  }
0x8e: {  	[smem:$0x3FBD] =	sst s2  }
0x8f: {  	_ = 	snop  }
0x90: {  	s2 =	sld [smem:$0x3FC3];
	(tm) =	ssettm $0x1  }
0x91: {  	s18 =	sld [smem:$0x3FFB];
	_ =	sdelay $0x3  }
0x92: {  	_ =	strace s18  }
0x93: {  	s3 =	sld [smem:$0x3FFC];
	_ =	sdelay $0x3  }
0x94: {  	_ =	strace s3  }
0x95: {  	s3 =	sld [smem:$0x3FFD];
	_ =	sdelay $0x3  }
0x96: {  	_ =	strace s3  }
0x97: {  	_ =	strace $0x8FFFFFFF  }
0x98: {  	s19 =	sld [smem:$0x3FDB];
	_ =	sdelay $0x1  }
0x99: {  	s4 =	simm.s32 $_scs_section_size  }
0x9a: {  	s5 =	simm.s32 $_size__tile_overlayer_lowered;
	s6 =	simm.s32 $_tile_overlayer_lowered  }
0x9b: {  	s22 =	simm.s32 $0x1BFF;
	s21 =	sshll.u32 s6, $0x1;
	s3 =	sadd.s32 s4, s19  }
0x9c: {  	s7 =	simm.s32 $0x0;
	s20 =	sshll.u32 s5, $0x1;
	s5 =	sadd.s32 s21, s3  }
0x9d: {  	[timem:s7], [sflag:s22] =	dma.local [hbm:s5], s20  }
0x9e: {  	_ =	swait.ge [sflag:s22], s20  }
0x9f: {  	s4 =	ssub.s32 $0x0, s20;
	[sflag:s22] =	ssyncset.done $0x0  }
0xa0: {  	[sflag:s22] =	ssyncadd.s32 s4;
	_ =	sdelay $0x1  }
0xa1: {  	s23 =	simm.s32 $0x1B8B  }
0xa2: {  	_ =	swait.ge [sflag:s23], $0x1  }
0xa3: {  	[sflag:s23] =	ssyncset.done $0x0  }
0xa4: {  	s25 =	simm.s32 $0x1B8E;
	s24 =	sld [smem:$0x3FFE];
	[sflag:s23] =	ssyncadd.s32 $0xFFFFFFFF  }
0xa5: {  	s26 =	simm.s32 $execute0_lowered;
	[smem:$0x3FD2] =	sst s25  }
0xa6: {  	s5 =	sshll.u32 s26, $0x1;
	_ =	strace $0x80000046;
	[dreg:$0x1] =	wrdreg $0xFFFFFFFF  }
0xa7: {  	s28 =	simm.s32 $_size_execute0_lowered;
	s3 =	sadd.s32 s3, s5;
	[dreg:$0x0] =	wrdreg $0x0  }
0xa8: {  	s5 =	sshll.u32 s28, $0x1;
	[dreg:$0x2] =	wrdreg s3  }
0xa9: {  	[dreg:$0x3] =	wrdreg s5  }
0xaa: {  	[dreg:$0x4] =	wrdreg $0xC0  }
0xab: {  	_ =	task [dreg:s7], $0x5FFFF  }
0xac: {  	[dreg:$0x1] =	wrdreg $0xFFFFFFFF  }
0xad: {  	[dreg:$0x0] =	wrdreg $0x60  }
0xae: {  	[dreg:$0x2] =	wrdreg s24  }
0xaf: {  	[dreg:$0x3] =	wrdreg s2  }
0xb0: {  	[dreg:$0x4] =	wrdreg $0x9  }
0xb1: {  	_ =	task.clear_ibuf [dreg:s7], $0x5FFFF;
	_ =	strace $0x90000046  }
0xb2: {  	s29 =	simm.s32 $0x9;
	_ =	strace $0x80000048  }
0xb3: {  	_ =	swait.ge [sflag:s29], $0x1  }
0xb4: {  	[sflag:s29] =	ssyncadd.s32 $0xFFFFFFFF  }
0xb5: {  	_ =	strace $0x90000048  }
0xb6: {  	_ =	sfence  }
0xb7: {  	s30 =	sld [smem:$0x0];
	_ =	sdelay $0x2  }
0xb8: {  	s31 =	sshll.u32 s1, $0xD;
	s1 =	sshrl.u32 s1, $0x2  }
0xb9: {  	s3 =	sand.u32 $0x4000, s31;
	s1 =	sadd.s32 s1, s30  }
0xba: {  	s0 =	sor.u32 s3, s0;
	s1 =	sshll.u32 s1, $0x11  }
0xbb: {  	s0 =	sor.u32 s1, s0  }
0xbc: {  	s0 =	sadd.s32 $0x8F2B, s0  }
0xbd: {  	[sflag:s0] =	ssyncadd.remote.s32 $0x1  }
0xbe: {  	_ =	sfence.sel $0xFFFF  }
0xbf: {  	[dreg:$0x0] =	wrdreg $0xFFFFFFFF;
	(pc) =	sbr.abs _section_cstart, $3  }
0xc0: {  	[dreg:$0x1] =	wrdreg $0xFFFFFFFF  }
0xc1: {  	_ =	task.clear_ibuf [dreg:s7], $0x2FFFF;
	_ =	strace $0x9FFFFFFF  }
0xc2: {  	(tm) =	ssettm $0x7FFFFFFF  }
0xc3: {  	_ =	shalt  }
tec
execute0_lowered:
.L_overlay_start_1:
0x0: {  	(tag) =	ssettag $0x1  }
0x1: {  	s1 =	srdreg.scid  }
0x2: {  	s0 =	stileid.u32;
	s21 =	sand.u32 $0x1, s1  }
0x3: {  	s9 =	rddreg [dreg:$0x0];
	s31 =	sshll.u32 s0, $0xB;
	s3 =	sshll.u32 s21, $0xA  }
0x4: {  	s2 =	rddreg [dreg:$0x1];
	s10 =	sor.u32 s3, s31  }
0x5: {  	s1 =	rddreg [dreg:$0x2];
	s3 =	simm.s32 $0x0;
	s4 =	sshrl.u32 s10, $0x3  }
0x6: {  	[smem:$0x7FF] =	sst s3;
	s4 =	sadd.s32 s4, s9  }
0x7: {  	_ =	strace $0x80000047;
	s5 =	sadd.s32 $0x1E00, s4;
	s4 =	simm.s32 $0x2  }
0x8: {  	[tilespmem:s3], [sflag:$0x2] =	stream.linear.gather [hbm4b:s5+s3], $0x400, $0x38;
	[tilespmem:$0x4400] =	vst v63  }
0x9: {  	_ =	swait.ge [sflag:s4], $0x400  }
0xa: {  	s6 =	simm.s32 $0x80;
	[sflag:s4] =	ssyncset.done $0x0  }
0xb: {  	s7 =	simm.s32 $0x400;
	s8 =	simm.s32 $0x1;
	[sflag:s4] =	ssyncadd.s32 $0xFFFFFC00  }
0xc: {  	[tilespmem:s7], [sflag:$0x1] =	stream.indirect.gather [hbm4b:s2+s6], $0x80, s3, s6, $0xb8;
	[tilespmem:$0x4400] =	vst v63  }
0xd: {  	s10 =	sshll.u32 s10, $0x4;
	_ =	swait.ge [sflag:s8], $0x4000  }
0xe: {  	s22 =	sadd.s32 s10, s9;
	[sflag:s8] =	ssyncset.done $0x0  }
0xf: {  	s9 =	sadd.s32 $0x2E00, s22;
	[sflag:s8] =	ssyncadd.s32 $0xFFFFC000  }
0x10: {  	[hbm4b:s9+s3] =	stream.linear.scatter [tilespmem:s7], [sflag:$0x2], $0x4000, $0x38;
	[tilespmem:$0x4400] =	vst v63  }
0x11: {  	_ =	swait.ge [sflag:s4], $0x4000  }
0x12: {  	[sflag:s4] =	ssyncset.done $0x0  }
0x13: {  	[sflag:s4] =	ssyncadd.s32 $0xFFFFC000  }
0x14: {  	[tilespmem:s7], [sflag:$0x1] =	stream.indirect.gather [hbm4b:s2+s6], $0x80, s6, s6, $0xb8;
	[tilespmem:$0x4400] =	vst v63  }
0x15: {  	_ =	swait.ge [sflag:s8], $0x4000  }
0x16: {  	[sflag:s8] =	ssyncset.done $0x0  }
0x17: {  	s10 =	sadd.s32 $0x3600, s22;
	[sflag:s8] =	ssyncadd.s32 $0xFFFFC000  }
0x18: {  	[hbm4b:s10+s3] =	stream.linear.scatter [tilespmem:s7], [sflag:$0x2], $0x4000, $0x38;
	[tilespmem:$0x4400] =	vst v63  }
0x19: {  	_ =	swait.ge [sflag:s4], $0x4000  }
0x1a: {  	[sflag:s4] =	ssyncset.done $0x0  }
0x1b: {  	s11 =	simm.s32 $0x100;
	[sflag:s4] =	ssyncadd.s32 $0xFFFFC000  }
0x1c: {  	[tilespmem:s7], [sflag:$0x1] =	stream.indirect.gather [hbm4b:s2+s6], $0x80, s11, s6, $0xb8;
	[tilespmem:$0x4400] =	vst v63  }
0x1d: {  	_ =	swait.ge [sflag:s8], $0x4000  }
0x1e: {  	[sflag:s8] =	ssyncset.done $0x0  }
0x1f: {  	s12 =	sadd.s32 $0x3E00, s22;
	[sflag:s8] =	ssyncadd.s32 $0xFFFFC000  }
0x20: {  	[hbm4b:s12+s3] =	stream.linear.scatter [tilespmem:s7], [sflag:$0x2], $0x4000, $0x38;
	[tilespmem:$0x4400] =	vst v63  }
0x21: {  	_ =	swait.ge [sflag:s4], $0x4000  }
0x22: {  	[sflag:s4] =	ssyncset.done $0x0  }
0x23: {  	s13 =	simm.s32 $0x180;
	[sflag:s4] =	ssyncadd.s32 $0xFFFFC000  }
0x24: {  	[tilespmem:s7], [sflag:$0x1] =	stream.indirect.gather [hbm4b:s2+s6], $0x80, s13, s6, $0xb8;
	[tilespmem:$0x4400] =	vst v63  }
0x25: {  	_ =	swait.ge [sflag:s8], $0x4000  }
0x26: {  	[sflag:s8] =	ssyncset.done $0x0  }
0x27: {  	s14 =	sadd.s32 $0x4600, s22;
	[sflag:s8] =	ssyncadd.s32 $0xFFFFC000  }
0x28: {  	[hbm4b:s14+s3] =	stream.linear.scatter [tilespmem:s7], [sflag:$0x2], $0x4000, $0x38;
	[tilespmem:$0x4400] =	vst v63  }
0x29: {  	_ =	swait.ge [sflag:s4], $0x4000  }
0x2a: {  	[sflag:s4] =	ssyncset.done $0x0  }
0x2b: {  	s15 =	simm.s32 $0x200;
	[sflag:s4] =	ssyncadd.s32 $0xFFFFC000  }
0x2c: {  	[tilespmem:s7], [sflag:$0x1] =	stream.indirect.gather [hbm4b:s2+s6], $0x80, s15, s6, $0xb8;
	[tilespmem:$0x4400] =	vst v63  }
0x2d: {  	_ =	swait.ge [sflag:s8], $0x4000  }
0x2e: {  	[sflag:s8] =	ssyncset.done $0x0  }
0x2f: {  	s16 =	sadd.s32 $0x4E00, s22;
	[sflag:s8] =	ssyncadd.s32 $0xFFFFC000  }
0x30: {  	[hbm4b:s16+s3] =	stream.linear.scatter [tilespmem:s7], [sflag:$0x2], $0x4000, $0x38;
	[tilespmem:$0x4400] =	vst v63  }
0x31: {  	_ =	swait.ge [sflag:s4], $0x4000  }
0x32: {  	[sflag:s4] =	ssyncset.done $0x0  }
0x33: {  	s17 =	simm.s32 $0x280;
	[sflag:s4] =	ssyncadd.s32 $0xFFFFC000  }
0x34: {  	[tilespmem:s7], [sflag:$0x1] =	stream.indirect.gather [hbm4b:s2+s6], $0x80, s17, s6, $0xb8;
	[tilespmem:$0x4400] =	vst v63  }
0x35: {  	_ =	swait.ge [sflag:s8], $0x4000  }
0x36: {  	[sflag:s8] =	ssyncset.done $0x0  }
0x37: {  	s18 =	sadd.s32 $0x5600, s22;
	[sflag:s8] =	ssyncadd.s32 $0xFFFFC000  }
0x38: {  	[hbm4b:s18+s3] =	stream.linear.scatter [tilespmem:s7], [sflag:$0x2], $0x4000, $0x38;
	[tilespmem:$0x4400] =	vst v63  }
0x39: {  	_ =	swait.ge [sflag:s4], $0x4000  }
0x3a: {  	[sflag:s4] =	ssyncset.done $0x0  }
0x3b: {  	s19 =	simm.s32 $0x300;
	[sflag:s4] =	ssyncadd.s32 $0xFFFFC000  }
0x3c: {  	[tilespmem:s7], [sflag:$0x1] =	stream.indirect.gather [hbm4b:s2+s6], $0x80, s19, s6, $0xb8;
	[tilespmem:$0x4400] =	vst v63  }
0x3d: {  	_ =	swait.ge [sflag:s8], $0x4000  }
0x3e: {  	[sflag:s8] =	ssyncset.done $0x0  }
0x3f: {  	s23 =	ssub.s32 $0x2, s21;
	s20 =	sadd.s32 $0x5E00, s22;
	[sflag:s8] =	ssyncadd.s32 $0xFFFFC000  }
0x40: {  	[hbm4b:s20+s3] =	stream.linear.scatter [tilespmem:s7], [sflag:$0x2], $0x4000, $0x38;
	[tilespmem:$0x4400] =	vst v63  }
0x41: {  	s24 =	sshrl.u32 s23, $0x1;
	_ =	swait.ge [sflag:s4], $0x4000  }
0x42: {  	s23 =	ssub.s32 s23, s24;
	[sflag:s4] =	ssyncset.done $0x0  }
0x43: {  	s21 =	simm.s32 $0x380;
	s23 =	smax.u32 s23, $0x1;
	[sflag:s4] =	ssyncadd.s32 $0xFFFFC000  }
0x44: {  	[tilespmem:s7], [sflag:$0x1] =	stream.indirect.gather [hbm4b:s2+s6], $0x80, s21, s6, $0xb8;
	[tilespmem:$0x4400] =	vst v63  }
0x45: {  	p0 =	sne.s32 s23, $0x1;
	_ =	swait.ge [sflag:s8], $0x4000  }
.Ltmp0:
0x46: {  	[sflag:s8] =	ssyncset.done $0x0;
	(pc) =	sbr.rel @!p0 .LBB2_2-.Ltmp0, $4  }
0x47: {  	s22 =	sadd.s32 $0x6600, s22;
	[sflag:s8] =	ssyncadd.s32 $0xFFFFC000  }
0x48: {  	[hbm4b:s22+s3] =	stream.linear.scatter [tilespmem:s7], [sflag:$0x2], $0x4000, $0x38;
	[tilespmem:$0x4400] =	vst v63  }
0x49: {  	_ =	swait.ge [sflag:s4], $0x4000  }
0x4a: {  	s23 =	sadd.s32 $0xFFFFFFFF, s23;
	[sflag:s4] =	ssyncset.done $0x0  }
.LBB2_1:
0x4b: {  	p0 =	sne.s32 s23, $0x1;
	s23 =	sadd.s32 $0xFFFFFFFF, s23;
	[sflag:s4] =	ssyncadd.s32 $0xFFFFC000  }
0x4c: {  	[tilespmem:s3], [sflag:$0x2] =	stream.linear.gather [hbm4b:s5+s3], $0x400, $0x38;
	[tilespmem:$0x4400] =	vst v63  }
0x4d: {  	_ =	swait.ge [sflag:s4], $0x400  }
0x4e: {  	[sflag:s4] =	ssyncset.done $0x0  }
0x4f: {  	[sflag:s4] =	ssyncadd.s32 $0xFFFFFC00  }
0x50: {  	[tilespmem:s7], [sflag:$0x1] =	stream.indirect.gather [hbm4b:s2+s6], $0x80, s3, s6, $0xb8;
	[tilespmem:$0x4400] =	vst v63  }
0x51: {  	_ =	swait.ge [sflag:s8], $0x4000  }
0x52: {  	[sflag:s8] =	ssyncset.done $0x0  }
0x53: {  	[sflag:s8] =	ssyncadd.s32 $0xFFFFC000  }
0x54: {  	[hbm4b:s9+s3] =	stream.linear.scatter [tilespmem:s7], [sflag:$0x2], $0x4000, $0x38;
	[tilespmem:$0x4400] =	vst v63  }
0x55: {  	_ =	swait.ge [sflag:s4], $0x4000  }
0x56: {  	[sflag:s4] =	ssyncset.done $0x0  }
0x57: {  	[sflag:s4] =	ssyncadd.s32 $0xFFFFC000  }
0x58: {  	[tilespmem:s7], [sflag:$0x1] =	stream.indirect.gather [hbm4b:s2+s6], $0x80, s6, s6, $0xb8;
	[tilespmem:$0x4400] =	vst v63  }
0x59: {  	_ =	swait.ge [sflag:s8], $0x4000  }
0x5a: {  	[sflag:s8] =	ssyncset.done $0x0  }
0x5b: {  	[sflag:s8] =	ssyncadd.s32 $0xFFFFC000  }
0x5c: {  	[hbm4b:s10+s3] =	stream.linear.scatter [tilespmem:s7], [sflag:$0x2], $0x4000, $0x38;
	[tilespmem:$0x4400] =	vst v63  }
0x5d: {  	_ =	swait.ge [sflag:s4], $0x4000  }
0x5e: {  	[sflag:s4] =	ssyncset.done $0x0  }
0x5f: {  	[sflag:s4] =	ssyncadd.s32 $0xFFFFC000  }
0x60: {  	[tilespmem:s7], [sflag:$0x1] =	stream.indirect.gather [hbm4b:s2+s6], $0x80, s11, s6, $0xb8;
	[tilespmem:$0x4400] =	vst v63  }
0x61: {  	_ =	swait.ge [sflag:s8], $0x4000  }
0x62: {  	[sflag:s8] =	ssyncset.done $0x0  }
0x63: {  	[sflag:s8] =	ssyncadd.s32 $0xFFFFC000  }
0x64: {  	[hbm4b:s12+s3] =	stream.linear.scatter [tilespmem:s7], [sflag:$0x2], $0x4000, $0x38;
	[tilespmem:$0x4400] =	vst v63  }
0x65: {  	_ =	swait.ge [sflag:s4], $0x4000  }
0x66: {  	[sflag:s4] =	ssyncset.done $0x0  }
0x67: {  	[sflag:s4] =	ssyncadd.s32 $0xFFFFC000  }
0x68: {  	[tilespmem:s7], [sflag:$0x1] =	stream.indirect.gather [hbm4b:s2+s6], $0x80, s13, s6, $0xb8;
	[tilespmem:$0x4400] =	vst v63  }
0x69: {  	_ =	swait.ge [sflag:s8], $0x4000  }
0x6a: {  	[sflag:s8] =	ssyncset.done $0x0  }
0x6b: {  	[sflag:s8] =	ssyncadd.s32 $0xFFFFC000  }
0x6c: {  	[hbm4b:s14+s3] =	stream.linear.scatter [tilespmem:s7], [sflag:$0x2], $0x4000, $0x38;
	[tilespmem:$0x4400] =	vst v63  }
0x6d: {  	_ =	swait.ge [sflag:s4], $0x4000  }
0x6e: {  	[sflag:s4] =	ssyncset.done $0x0  }
0x6f: {  	[sflag:s4] =	ssyncadd.s32 $0xFFFFC000  }
0x70: {  	[tilespmem:s7], [sflag:$0x1] =	stream.indirect.gather [hbm4b:s2+s6], $0x80, s15, s6, $0xb8;
	[tilespmem:$0x4400] =	vst v63  }
0x71: {  	_ =	swait.ge [sflag:s8], $0x4000  }
0x72: {  	[sflag:s8] =	ssyncset.done $0x0  }
0x73: {  	[sflag:s8] =	ssyncadd.s32 $0xFFFFC000  }
0x74: {  	[hbm4b:s16+s3] =	stream.linear.scatter [tilespmem:s7], [sflag:$0x2], $0x4000, $0x38;
	[tilespmem:$0x4400] =	vst v63  }
0x75: {  	_ =	swait.ge [sflag:s4], $0x4000  }
0x76: {  	[sflag:s4] =	ssyncset.done $0x0  }
0x77: {  	[sflag:s4] =	ssyncadd.s32 $0xFFFFC000  }
0x78: {  	[tilespmem:s7], [sflag:$0x1] =	stream.indirect.gather [hbm4b:s2+s6], $0x80, s17, s6, $0xb8;
	[tilespmem:$0x4400] =	vst v63  }
0x79: {  	_ =	swait.ge [sflag:s8], $0x4000  }
0x7a: {  	[sflag:s8] =	ssyncset.done $0x0  }
0x7b: {  	[sflag:s8] =	ssyncadd.s32 $0xFFFFC000  }
0x7c: {  	[hbm4b:s18+s3] =	stream.linear.scatter [tilespmem:s7], [sflag:$0x2], $0x4000, $0x38;
	[tilespmem:$0x4400] =	vst v63  }
0x7d: {  	_ =	swait.ge [sflag:s4], $0x4000  }
0x7e: {  	[sflag:s4] =	ssyncset.done $0x0  }
0x7f: {  	[sflag:s4] =	ssyncadd.s32 $0xFFFFC000  }
0x80: {  	[tilespmem:s7], [sflag:$0x1] =	stream.indirect.gather [hbm4b:s2+s6], $0x80, s19, s6, $0xb8;
	[tilespmem:$0x4400] =	vst v63  }
0x81: {  	_ =	swait.ge [sflag:s8], $0x4000  }
0x82: {  	[sflag:s8] =	ssyncset.done $0x0  }
0x83: {  	[sflag:s8] =	ssyncadd.s32 $0xFFFFC000  }
0x84: {  	[hbm4b:s20+s3] =	stream.linear.scatter [tilespmem:s7], [sflag:$0x2], $0x4000, $0x38;
	[tilespmem:$0x4400] =	vst v63  }
0x85: {  	_ =	swait.ge [sflag:s4], $0x4000  }
0x86: {  	[sflag:s4] =	ssyncset.done $0x0  }
0x87: {  	[sflag:s4] =	ssyncadd.s32 $0xFFFFC000  }
0x88: {  	[tilespmem:s7], [sflag:$0x1] =	stream.indirect.gather [hbm4b:s2+s6], $0x80, s21, s6, $0xb8;
	[tilespmem:$0x4400] =	vst v63  }
0x89: {  	_ =	swait.ge [sflag:s8], $0x4000  }
.Ltmp1:
0x8a: {  	[sflag:s8] =	ssyncset.done $0x0;
	(pc) =	sbr.rel @p0 .LBB2_1-.Ltmp1, $4  }
0x8b: {  	[sflag:s8] =	ssyncadd.s32 $0xFFFFC000  }
0x8c: {  	[hbm4b:s22+s3] =	stream.linear.scatter [tilespmem:s7], [sflag:$0x2], $0x4000, $0x38;
	[tilespmem:$0x4400] =	vst v63  }
0x8d: {  	_ =	swait.ge [sflag:s4], $0x4000  }
0x8e: {  	[sflag:s4] =	ssyncset.done $0x0  }
.LBB2_2:
0x8f: {  	[sflag:s4] =	ssyncadd.s32 $0xFFFFC000  }
0x90: {  	_ =	sfence.sel $0x180000  }
0x91: {  	[bflag:$0x0] =	sbarrier.arrive $0xFFFF  }
0x92: {  	p0 =	sne.s32 s0, $0x0;
	_ =	strace $0x90000047  }
0x93: {  	s0 =	sadd.s32 @!p0 $0x100000, s1;
	[bflag:$0x2] =	sbarrier.arrive $0xFFFF  }
0x94: {  	[sflag:s0] =	ssyncadd.tile.s32 @!p0 $0x1;
	_ =	shalt  }
.Lfunc_end2:
_tile_overlayer_lowered:
.L_overlay_start_2:
0x95: {  	(tag) =	ssettag $0x2  }
0x96: {  	s0 =	rddreg [dreg:$0x0];
	s2 =	stileid.u32  }
0x97: {  	s1 =	rddreg [dreg:$0x1];
	p0 =	sne.s32 s2, $0x0  }
0x98: {  	s3 =	rddreg [dreg:$0x2];
	[bflag:$0x3] =	sbarrier.arrive $0xFFFF;
	s2 =	simm.s32 @!p0 $0x1C02  }
0x99: {  	[timem:s3], [sflag:s2] =	dma.local @!p0 [hbm:s0], s1  }
0x9a: {  	s0 =	simm.s32 @!p0 $0x2  }
0x9b: {  	_ =	swait.ge @!p0 [sflag:s0], s1  }
0x9c: {  	s1 =	ssub.s32 @!p0 $0x0, s1;
	[sflag:s0] =	ssyncset.done @!p0 $0x0  }
0x9d: {  	[sflag:s0] =	ssyncadd.s32 @!p0 s1  }
0x9e: {  	[bflag:$0x3] =	sbarrier.arrive $0xFFFF  }
0x9f: {  	_ =	shalt  }

</sc_bundles>
